<compile_context>
chip_gen: v7x
topology: tpu7x:2x2x1
jax: 0.10.2.dev20260603
libtpu: 0.0.44.dev20260713+nightly
codegen_flags: <defaults>
</compile_context>

<pallas_src>
import functools

import jax
import jax.numpy as jnp
from jax.experimental import pallas as pl
from jax.experimental.pallas import tpu as pltpu

B, L, D = 4, 2048, 768
T = 8192
H, C = 4, 256
HC = H * C
N = L

BN = 256
BD = 256
BS = 512
ND = N // BD
NS = N // BS


def _lin_body(emb_ref, wgat_ref, attsrc_ref, attdst_ref,
              xlin_ref, asrcT_ref, adst_ref):
    emb = emb_ref[0]
    xl = jnp.dot(emb, wgat_ref[...], preferred_element_type=jnp.float32)
    xlin_ref[0] = xl
    asrcT_ref[0, 4:8, :] = jnp.zeros((4, BN), jnp.float32)
    for h in range(H):
        xh = xl[:, h * C:(h + 1) * C]
        ats = attsrc_ref[0, h * C:(h + 1) * C][None, :]
        atd = attdst_ref[0, h * C:(h + 1) * C][None, :]
        r = jax.lax.dot_general(ats, xh, (((1,), (1,)), ((), ())),
                                preferred_element_type=jnp.float32)
        asrcT_ref[0, h:h + 1, :] = r
        cdst = jax.lax.dot_general(xh, atd, (((1,), (1,)), ((), ())),
                                   preferred_element_type=jnp.float32)
        adst_ref[0, :, h:h + 1] = cdst


def _lin_call(emb, W_gat, att_src_f, att_dst_f):
    return pl.pallas_call(
        _lin_body,
        grid=(B, N // BN),
        in_specs=[
            pl.BlockSpec((1, BN, D), lambda b, n: (b, n, 0)),
            pl.BlockSpec((D, HC), lambda b, n: (0, 0)),
            pl.BlockSpec((1, HC), lambda b, n: (0, 0)),
            pl.BlockSpec((1, HC), lambda b, n: (0, 0)),
        ],
        out_specs=[
            pl.BlockSpec((1, BN, HC), lambda b, n: (b, n, 0)),
            pl.BlockSpec((1, 8, BN), lambda b, n: (b, 0, n)),
            pl.BlockSpec((1, BN, H), lambda b, n: (b, n, 0)),
        ],
        out_shape=[
            jax.ShapeDtypeStruct((B, N, HC), jnp.float32),
            jax.ShapeDtypeStruct((B, 8, N), jnp.float32),
            jax.ShapeDtypeStruct((B, N, H), jnp.float32),
        ],
        compiler_params=pltpu.CompilerParams(
            dimension_semantics=("parallel", "parallel")),
    )(emb, W_gat, att_src_f, att_dst_f)


def _gat_body(asrcT_ref, adst_ref, cnt_ref, x_ref, emb_ref,
              wout_ref, bgat_ref, bout_ref, out_ref, acc_ref, den_ref):
    s = pl.program_id(2)
    d = pl.program_id(1)

    @pl.when(s == 0)
    def _():
        acc_ref[...] = jnp.zeros_like(acc_ref)
        den_ref[...] = jnp.zeros_like(den_ref)

    cnt = cnt_ref[0]
    rows = d * BD + jax.lax.broadcasted_iota(jnp.int32, (BD, BS), 0)
    cols = s * BS + jax.lax.broadcasted_iota(jnp.int32, (BD, BS), 1)
    cntp = cnt + (rows == cols).astype(jnp.float32)

    for h in range(H):
        asrc_row = asrcT_ref[0, h, pl.ds(s * BS, BS)][None, :]
        gmax = jnp.max(asrcT_ref[0, h, :])
        adst_col = adst_ref[0, :, h:h + 1]
        alpha = adst_col + asrc_row
        alpha = jnp.where(alpha >= 0, alpha, 0.2 * alpha)
        m = gmax + adst_col
        m = jnp.where(m >= 0, m, 0.2 * m)
        w = jnp.exp(alpha - m) * cntp
        den_ref[:, h:h + 1] += jnp.sum(w, axis=1, keepdims=True)
        xh = x_ref[0, :, h * C:(h + 1) * C]
        acc_ref[:, h * C:(h + 1) * C] += jnp.dot(
            w, xh, preferred_element_type=jnp.float32)

    @pl.when(s == NS - 1)
    def _():
        parts = [acc_ref[:, h * C:(h + 1) * C] / den_ref[:, h:h + 1]
                 for h in range(H)]
        xgat = jnp.concatenate(parts, axis=1) + bgat_ref[0][None, :]
        o = jnp.dot(emb_ref[0], wout_ref[:D, :],
                    preferred_element_type=jnp.float32)
        o += jnp.dot(xgat, wout_ref[D:, :],
                     preferred_element_type=jnp.float32)
        out_ref[0] = o + bout_ref[0][None, :]


def _gat_call(asrcT, adst, cnt, xlin, emb, W_out, bgat_f, bout_f):
    return pl.pallas_call(
        _gat_body,
        grid=(B, ND, NS),
        in_specs=[
            pl.BlockSpec((1, 8, N), lambda b, d, s: (b, 0, 0)),
            pl.BlockSpec((1, BD, H), lambda b, d, s: (b, d, 0)),
            pl.BlockSpec((1, BD, BS), lambda b, d, s: (b, d, s)),
            pl.BlockSpec((1, BS, HC), lambda b, d, s: (b, s, 0)),
            pl.BlockSpec((1, BD, D), lambda b, d, s: (b, d, 0)),
            pl.BlockSpec((D + HC, D), lambda b, d, s: (0, 0)),
            pl.BlockSpec((1, HC), lambda b, d, s: (0, 0)),
            pl.BlockSpec((1, D), lambda b, d, s: (0, 0)),
        ],
        out_specs=pl.BlockSpec((1, BD, D), lambda b, d, s: (b, d, 0)),
        out_shape=jax.ShapeDtypeStruct((B, N, D), jnp.float32),
        scratch_shapes=[
            pltpu.VMEM((BD, HC), jnp.float32),
            pltpu.VMEM((BD, H), jnp.float32),
        ],
        compiler_params=pltpu.CompilerParams(
            dimension_semantics=("parallel", "parallel", "arbitrary")),
    )(asrcT, adst, cnt, xlin, emb, W_out, bgat_f, bout_f)


def _count_matrix(triples_batch):
    h = triples_batch[:, :, 0]
    t = triples_batch[:, :, 2]
    dst = jnp.concatenate([t, h], axis=1)
    src = jnp.concatenate([h, t], axis=1)
    bidx = jnp.broadcast_to(jnp.arange(B, dtype=jnp.int32)[:, None], dst.shape)
    cnt = jnp.zeros((B, N, N), jnp.float32)
    cnt = cnt.at[bidx, dst, src].add(1.0)
    return cnt


def kernel(text_embeddings, triples_batch, W_gat, att_src, att_dst,
           bias_gat, W_out, b_out):
    att_src_f = att_src.reshape(1, HC)
    att_dst_f = att_dst.reshape(1, HC)
    bgat_f = bias_gat.reshape(1, HC)
    bout_f = b_out.reshape(1, D)

    cnt = _count_matrix(triples_batch)
    xlin, asrcT, adst = _lin_call(text_embeddings, W_gat, att_src_f, att_dst_f)
    out = _gat_call(asrcT, adst, cnt, xlin, text_embeddings, W_out,
                    bgat_f, bout_f)
    return out

# --- scband reference (transcript-rebuilt; emitter-appended) ---
"""Pipeline reference for scband-know-ctiembedder-19250043421250 (READ-ONLY COPY).

The authoritative reference and input builder live on the scoring server;
editing this copy changes nothing except your own understanding.
"""

import jax, jax.numpy as jnp
import numpy as np

B, L, D = 4, 2048, 768
T = 8192
H, C = 4, 256


def setup_inputs(seed: int = 0):
    key = jax.random.key(seed)
    ks = jax.random.split(key, 8)
    text_embeddings = jax.random.normal(ks[0], (B, L, D), dtype=jnp.float32)
    triples_batch = jax.random.randint(ks[1], (B, T, 3), 0, L, dtype=jnp.int32)
    W_gat = jax.random.normal(ks[2], (D, H * C), dtype=jnp.float32) * 0.02
    att_src = jax.random.normal(ks[3], (1, H, C), dtype=jnp.float32) * 0.02
    att_dst = jax.random.normal(ks[4], (1, H, C), dtype=jnp.float32) * 0.02
    bias_gat = jnp.zeros((H * C,), dtype=jnp.float32)
    W_out = jax.random.normal(ks[5], (H * C + D, D), dtype=jnp.float32) * 0.02
    b_out = jnp.zeros((D,), dtype=jnp.float32)
    return {
        'text_embeddings': text_embeddings,
        'triples_batch': triples_batch,
        'W_gat': W_gat,
        'att_src': att_src,
        'att_dst': att_dst,
        'bias_gat': bias_gat,
        'W_out': W_out,
        'b_out': b_out,
    }


def gat_conv(x, src_in, dst_in, W, att_src, att_dst, bias):
    # Faithful PyG GATConv(in, C, heads=H, concat=True): add_self_loops=True,
    # negative_slope=0.2, softmax over incoming edges per destination node.
    N = x.shape[0]
    x_lin = (x @ W).reshape(N, H, C)
    loop = jnp.arange(N, dtype=src_in.dtype)
    src = jnp.concatenate([src_in, loop])
    dst = jnp.concatenate([dst_in, loop])
    a_src = jnp.sum(x_lin * att_src, axis=-1)  # [N, H]
    a_dst = jnp.sum(x_lin * att_dst, axis=-1)  # [N, H]
    alpha = a_src[src] + a_dst[dst]            # [E, H]
    alpha = jax.nn.leaky_relu(alpha, 0.2)
    amax = jax.ops.segment_max(alpha, dst, num_segments=N)
    amax = jnp.where(jnp.isfinite(amax), amax, 0.0)
    aexp = jnp.exp(alpha - amax[dst])
    denom = jax.ops.segment_sum(aexp, dst, num_segments=N)
    attn = aexp / (denom[dst] + 1e-16)
    msg = x_lin[src] * attn[:, :, None]        # [E, H, C]
    out = jax.ops.segment_sum(msg, dst, num_segments=N)
    return out.reshape(N, H * C) + bias


def reference(text_embeddings, triples_batch, W_gat, att_src, att_dst, bias_gat, W_out, b_out):
    outs = []
    for i in range(text_embeddings.shape[0]):
        emb = text_embeddings[i]
        tri = triples_batch[i]
        h = tri[:, 0]
        t = tri[:, 2]
        # for each triple (h, r, t): edges (h->t) and (t->h)
        src = jnp.concatenate([h, t])
        dst = jnp.concatenate([t, h])
        x_gat = gat_conv(emb, src, dst, W_gat, att_src, att_dst, bias_gat)
        x_fused = jnp.concatenate([emb, x_gat], axis=-1)
        outs.append(x_fused @ W_out + b_out)
    return jnp.stack(outs, axis=0)

if __name__ == "__main__":
    import jax
    _d = setup_inputs()
    print(jax.jit(kernel)(*tuple(_d.values())))

</pallas_src>

<mosaic_0001>
module attributes {stable_mosaic.version = 14 : i64} {
  func.func @_lin_body(%arg0: i32, %arg1: i32, %arg2: memref<1x256x768xf32, #tpu.memory_space<vmem>>, %arg3: memref<768x1024xf32, #tpu.memory_space<vmem>>, %arg4: memref<1x1024xf32, #tpu.memory_space<vmem>>, %arg5: memref<1x1024xf32, #tpu.memory_space<vmem>>, %arg6: memref<1x256x1024xf32, #tpu.memory_space<vmem>>, %arg7: memref<1x8x256xf32, #tpu.memory_space<vmem>>, %arg8: memref<1x256x4xf32, #tpu.memory_space<vmem>>) attributes {dimension_semantics = [#tpu.dimension_semantics<parallel>, #tpu.dimension_semantics<parallel>], iteration_bounds = array<i64: 4, 8>, scalar_prefetch = 0 : i64, scratch_operands = 0 : i64, tpu.core_type = #tpu.core_type<tc>, window_params = [{transform_indices = @transform_0, window_bounds = array<i64: 1, 256, 768>}, {pipeline_mode = #tpu.pipeline_mode<synchronous>, transform_indices = @transform_1, window_bounds = array<i64: 768, 1024>}, {pipeline_mode = #tpu.pipeline_mode<synchronous>, transform_indices = @transform_2, window_bounds = array<i64: 1, 1024>}, {pipeline_mode = #tpu.pipeline_mode<synchronous>, transform_indices = @transform_3, window_bounds = array<i64: 1, 1024>}, {transform_indices = @transform_4, window_bounds = array<i64: 1, 256, 1024>}, {transform_indices = @transform_5, window_bounds = array<i64: 1, 8, 256>}, {transform_indices = @transform_6, window_bounds = array<i64: 1, 256, 4>}]} {
    %get3A = arith.constant 0 : index
    %get3A_0 = arith.constant 0 : index
    %get3A_1 = arith.constant 0 : index
    %get3A_2 = vector.load %arg2[%get3A, %get3A_0, %get3A_1] : memref<1x256x768xf32, #tpu.memory_space<vmem>>, vector<1x256x768xf32>
    %get3A_3 = vector.shape_cast %get3A_2 : vector<1x256x768xf32> to vector<256x768xf32>
    %get3A_4 = arith.constant 0 : index
    %get3A_5 = arith.constant 0 : index
    %get3A_6 = vector.load %arg3[%get3A_4, %get3A_5] : memref<768x1024xf32, #tpu.memory_space<vmem>>, vector<768x1024xf32>
    %dot_general3A = arith.constant dense<0.000000e+00> : vector<256x1024xf32>
    %dot_general3A_7 = tpu.matmul %get3A_3, %get3A_6, %dot_general3A {dimension_numbers = #tpu.dot_dimension_numbers<[1], [0], [0], [1], [0, 0, 1, 1], [], []>, transpose_lhs_hint = false} : vector<256x768xf32>, vector<768x1024xf32>, vector<256x1024xf32> -> vector<256x1024xf32>
    %swap3A = arith.constant 0 : index
    %swap3A_8 = arith.constant 0 : index
    %swap3A_9 = arith.constant 0 : index
    %swap3A_10 = vector.load %arg6[%swap3A, %swap3A_8, %swap3A_9] : memref<1x256x1024xf32, #tpu.memory_space<vmem>>, vector<1x256x1024xf32>
    %swap3A_11 = vector.shape_cast %swap3A_10 : vector<1x256x1024xf32> to vector<256x1024xf32>
    %swap3A_12 = vector.shape_cast %dot_general3A_7 : vector<256x1024xf32> to vector<1x256x1024xf32>
    tpu.vector_store %arg6[%swap3A, %swap3A_8, %swap3A_9], %swap3A_12 {strides = array<i32>} : memref<1x256x1024xf32, #tpu.memory_space<vmem>>, vector<1x256x1024xf32>,
    %broadcast_in_dim3A = arith.constant 0.000000e+00 : f32
    %broadcast_in_dim3A_13 = vector.broadcast %broadcast_in_dim3A : f32 to vector<4x256xf32>
    %swap3A_14 = arith.constant 0 : index
    %swap3A_15 = arith.constant 4 : index
    %swap3A_16 = arith.constant 0 : index
    %swap3A_17 = vector.load %arg7[%swap3A_14, %swap3A_15, %swap3A_16] : memref<1x8x256xf32, #tpu.memory_space<vmem>>, vector<1x4x256xf32>
    %swap3A_18 = vector.shape_cast %swap3A_17 : vector<1x4x256xf32> to vector<4x256xf32>
    %swap3A_19 = vector.shape_cast %broadcast_in_dim3A_13 : vector<4x256xf32> to vector<1x4x256xf32>
    tpu.vector_store %arg7[%swap3A_14, %swap3A_15, %swap3A_16], %swap3A_19 {strides = array<i32>} : memref<1x8x256xf32, #tpu.memory_space<vmem>>, vector<1x4x256xf32>,
    %slice3A = vector.extract_strided_slice %dot_general3A_7 {offsets = [0, 0], sizes = [256, 256], strides = [1, 1]} : vector<256x1024xf32> to vector<256x256xf32>
    %get3A_20 = arith.constant 0 : index
    %get3A_21 = arith.constant 0 : index
    %get3A_22 = vector.load %arg4[%get3A_20, %get3A_21] : memref<1x1024xf32, #tpu.memory_space<vmem>>, vector<1x256xf32>
    %get3A_23 = vector.shape_cast %get3A_22 : vector<1x256xf32> to vector<256xf32>
    %broadcast_in_dim3A_24 = vector.shape_cast %get3A_23 : vector<256xf32> to vector<1x256xf32>
    %get3A_25 = arith.constant 0 : index
    %get3A_26 = arith.constant 0 : index
    %get3A_27 = vector.load %arg5[%get3A_25, %get3A_26] : memref<1x1024xf32, #tpu.memory_space<vmem>>, vector<1x256xf32>
    %get3A_28 = vector.shape_cast %get3A_27 : vector<1x256xf32> to vector<256xf32>
    %broadcast_in_dim3A_29 = vector.shape_cast %get3A_28 : vector<256xf32> to vector<1x256xf32>
    %dot_general3A_30 = arith.constant dense<0.000000e+00> : vector<1x256xf32>
    %dot_general3A_31 = tpu.matmul %broadcast_in_dim3A_24, %slice3A, %dot_general3A_30 {dimension_numbers = #tpu.dot_dimension_numbers<[1], [1], [0], [0], [0, 0, 1, 0], [], []>, transpose_lhs_hint = false} : vector<1x256xf32>, vector<256x256xf32>, vector<1x256xf32> -> vector<1x256xf32>
    %swap3A_32 = arith.constant 0 : index
    %swap3A_33 = arith.constant 0 : index
    %swap3A_34 = arith.constant 0 : index
    %swap3A_35 = vector.load %arg7[%swap3A_32, %swap3A_33, %swap3A_34] : memref<1x8x256xf32, #tpu.memory_space<vmem>>, vector<1x1x256xf32>
    %swap3A_36 = vector.shape_cast %swap3A_35 : vector<1x1x256xf32> to vector<1x256xf32>
    %swap3A_37 = vector.shape_cast %dot_general3A_31 : vector<1x256xf32> to vector<1x1x256xf32>
    tpu.vector_store %arg7[%swap3A_32, %swap3A_33, %swap3A_34], %swap3A_37 {strides = array<i32>} : memref<1x8x256xf32, #tpu.memory_space<vmem>>, vector<1x1x256xf32>,
    %dot_general3A_38 = arith.constant dense<0.000000e+00> : vector<256x1xf32>
    %dot_general3A_39 = tpu.matmul %slice3A, %broadcast_in_dim3A_29, %dot_general3A_38 {dimension_numbers = #tpu.dot_dimension_numbers<[1], [1], [0], [0], [0, 0, 1, 0], [], []>, transpose_lhs_hint = false} : vector<256x256xf32>, vector<1x256xf32>, vector<256x1xf32> -> vector<256x1xf32>
    %swap3A_40 = arith.constant 0 : index
    %swap3A_41 = arith.constant 0 : index
    %swap3A_42 = arith.constant 0 : index
    %swap3A_43 = vector.load %arg8[%swap3A_40, %swap3A_41, %swap3A_42] : memref<1x256x4xf32, #tpu.memory_space<vmem>>, vector<1x256x1xf32>
    %swap3A_44 = vector.shape_cast %swap3A_43 : vector<1x256x1xf32> to vector<256x1xf32>
    %swap3A_45 = vector.shape_cast %dot_general3A_39 : vector<256x1xf32> to vector<1x256x1xf32>
    tpu.vector_store %arg8[%swap3A_40, %swap3A_41, %swap3A_42], %swap3A_45 {strides = array<i32>} : memref<1x256x4xf32, #tpu.memory_space<vmem>>, vector<1x256x1xf32>,
    %slice3A_46 = vector.extract_strided_slice %dot_general3A_7 {offsets = [0, 256], sizes = [256, 256], strides = [1, 1]} : vector<256x1024xf32> to vector<256x256xf32>
    %get3A_47 = arith.constant 0 : index
    %get3A_48 = arith.constant 256 : index
    %get3A_49 = vector.load %arg4[%get3A_47, %get3A_48] : memref<1x1024xf32, #tpu.memory_space<vmem>>, vector<1x256xf32>
    %get3A_50 = vector.shape_cast %get3A_49 : vector<1x256xf32> to vector<256xf32>
    %broadcast_in_dim3A_51 = vector.shape_cast %get3A_50 : vector<256xf32> to vector<1x256xf32>
    %get3A_52 = arith.constant 0 : index
    %get3A_53 = arith.constant 256 : index
    %get3A_54 = vector.load %arg5[%get3A_52, %get3A_53] : memref<1x1024xf32, #tpu.memory_space<vmem>>, vector<1x256xf32>
    %get3A_55 = vector.shape_cast %get3A_54 : vector<1x256xf32> to vector<256xf32>
    %broadcast_in_dim3A_56 = vector.shape_cast %get3A_55 : vector<256xf32> to vector<1x256xf32>
    %dot_general3A_57 = arith.constant dense<0.000000e+00> : vector<1x256xf32>
    %dot_general3A_58 = tpu.matmul %broadcast_in_dim3A_51, %slice3A_46, %dot_general3A_57 {dimension_numbers = #tpu.dot_dimension_numbers<[1], [1], [0], [0], [0, 0, 1, 0], [], []>, transpose_lhs_hint = false} : vector<1x256xf32>, vector<256x256xf32>, vector<1x256xf32> -> vector<1x256xf32>
    %swap3A_59 = arith.constant 0 : index
    %swap3A_60 = arith.constant 1 : index
    %swap3A_61 = arith.constant 0 : index
    %swap3A_62 = vector.load %arg7[%swap3A_59, %swap3A_60, %swap3A_61] : memref<1x8x256xf32, #tpu.memory_space<vmem>>, vector<1x1x256xf32>
    %swap3A_63 = vector.shape_cast %swap3A_62 : vector<1x1x256xf32> to vector<1x256xf32>
    %swap3A_64 = vector.shape_cast %dot_general3A_58 : vector<1x256xf32> to vector<1x1x256xf32>
    tpu.vector_store %arg7[%swap3A_59, %swap3A_60, %swap3A_61], %swap3A_64 {strides = array<i32>} : memref<1x8x256xf32, #tpu.memory_space<vmem>>, vector<1x1x256xf32>,
    %dot_general3A_65 = arith.constant dense<0.000000e+00> : vector<256x1xf32>
    %dot_general3A_66 = tpu.matmul %slice3A_46, %broadcast_in_dim3A_56, %dot_general3A_65 {dimension_numbers = #tpu.dot_dimension_numbers<[1], [1], [0], [0], [0, 0, 1, 0], [], []>, transpose_lhs_hint = false} : vector<256x256xf32>, vector<1x256xf32>, vector<256x1xf32> -> vector<256x1xf32>
    %swap3A_67 = arith.constant 0 : index
    %swap3A_68 = arith.constant 0 : index
    %swap3A_69 = arith.constant 1 : index
    %swap3A_70 = vector.load %arg8[%swap3A_67, %swap3A_68, %swap3A_69] : memref<1x256x4xf32, #tpu.memory_space<vmem>>, vector<1x256x1xf32>
    %swap3A_71 = vector.shape_cast %swap3A_70 : vector<1x256x1xf32> to vector<256x1xf32>
    %swap3A_72 = vector.shape_cast %dot_general3A_66 : vector<256x1xf32> to vector<1x256x1xf32>
    tpu.vector_store %arg8[%swap3A_67, %swap3A_68, %swap3A_69], %swap3A_72 {strides = array<i32>} : memref<1x256x4xf32, #tpu.memory_space<vmem>>, vector<1x256x1xf32>,
    %slice3A_73 = vector.extract_strided_slice %dot_general3A_7 {offsets = [0, 512], sizes = [256, 256], strides = [1, 1]} : vector<256x1024xf32> to vector<256x256xf32>
    %get3A_74 = arith.constant 0 : index
    %get3A_75 = arith.constant 512 : index
    %get3A_76 = vector.load %arg4[%get3A_74, %get3A_75] : memref<1x1024xf32, #tpu.memory_space<vmem>>, vector<1x256xf32>
    %get3A_77 = vector.shape_cast %get3A_76 : vector<1x256xf32> to vector<256xf32>
    %broadcast_in_dim3A_78 = vector.shape_cast %get3A_77 : vector<256xf32> to vector<1x256xf32>
    %get3A_79 = arith.constant 0 : index
    %get3A_80 = arith.constant 512 : index
    %get3A_81 = vector.load %arg5[%get3A_79, %get3A_80] : memref<1x1024xf32, #tpu.memory_space<vmem>>, vector<1x256xf32>
    %get3A_82 = vector.shape_cast %get3A_81 : vector<1x256xf32> to vector<256xf32>
    %broadcast_in_dim3A_83 = vector.shape_cast %get3A_82 : vector<256xf32> to vector<1x256xf32>
    %dot_general3A_84 = arith.constant dense<0.000000e+00> : vector<1x256xf32>
    %dot_general3A_85 = tpu.matmul %broadcast_in_dim3A_78, %slice3A_73, %dot_general3A_84 {dimension_numbers = #tpu.dot_dimension_numbers<[1], [1], [0], [0], [0, 0, 1, 0], [], []>, transpose_lhs_hint = false} : vector<1x256xf32>, vector<256x256xf32>, vector<1x256xf32> -> vector<1x256xf32>
    %swap3A_86 = arith.constant 0 : index
    %swap3A_87 = arith.constant 2 : index
    %swap3A_88 = arith.constant 0 : index
    %swap3A_89 = vector.load %arg7[%swap3A_86, %swap3A_87, %swap3A_88] : memref<1x8x256xf32, #tpu.memory_space<vmem>>, vector<1x1x256xf32>
    %swap3A_90 = vector.shape_cast %swap3A_89 : vector<1x1x256xf32> to vector<1x256xf32>
    %swap3A_91 = vector.shape_cast %dot_general3A_85 : vector<1x256xf32> to vector<1x1x256xf32>
    tpu.vector_store %arg7[%swap3A_86, %swap3A_87, %swap3A_88], %swap3A_91 {strides = array<i32>} : memref<1x8x256xf32, #tpu.memory_space<vmem>>, vector<1x1x256xf32>,
    %dot_general3A_92 = arith.constant dense<0.000000e+00> : vector<256x1xf32>
    %dot_general3A_93 = tpu.matmul %slice3A_73, %broadcast_in_dim3A_83, %dot_general3A_92 {dimension_numbers = #tpu.dot_dimension_numbers<[1], [1], [0], [0], [0, 0, 1, 0], [], []>, transpose_lhs_hint = false} : vector<256x256xf32>, vector<1x256xf32>, vector<256x1xf32> -> vector<256x1xf32>
    %swap3A_94 = arith.constant 0 : index
    %swap3A_95 = arith.constant 0 : index
    %swap3A_96 = arith.constant 2 : index
    %swap3A_97 = vector.load %arg8[%swap3A_94, %swap3A_95, %swap3A_96] : memref<1x256x4xf32, #tpu.memory_space<vmem>>, vector<1x256x1xf32>
    %swap3A_98 = vector.shape_cast %swap3A_97 : vector<1x256x1xf32> to vector<256x1xf32>
    %swap3A_99 = vector.shape_cast %dot_general3A_93 : vector<256x1xf32> to vector<1x256x1xf32>
    tpu.vector_store %arg8[%swap3A_94, %swap3A_95, %swap3A_96], %swap3A_99 {strides = array<i32>} : memref<1x256x4xf32, #tpu.memory_space<vmem>>, vector<1x256x1xf32>,
    %slice3A_100 = vector.extract_strided_slice %dot_general3A_7 {offsets = [0, 768], sizes = [256, 256], strides = [1, 1]} : vector<256x1024xf32> to vector<256x256xf32>
    %get3A_101 = arith.constant 0 : index
    %get3A_102 = arith.constant 768 : index
    %get3A_103 = vector.load %arg4[%get3A_101, %get3A_102] : memref<1x1024xf32, #tpu.memory_space<vmem>>, vector<1x256xf32>
    %get3A_104 = vector.shape_cast %get3A_103 : vector<1x256xf32> to vector<256xf32>
    %broadcast_in_dim3A_105 = vector.shape_cast %get3A_104 : vector<256xf32> to vector<1x256xf32>
    %get3A_106 = arith.constant 0 : index
    %get3A_107 = arith.constant 768 : index
    %get3A_108 = vector.load %arg5[%get3A_106, %get3A_107] : memref<1x1024xf32, #tpu.memory_space<vmem>>, vector<1x256xf32>
    %get3A_109 = vector.shape_cast %get3A_108 : vector<1x256xf32> to vector<256xf32>
    %broadcast_in_dim3A_110 = vector.shape_cast %get3A_109 : vector<256xf32> to vector<1x256xf32>
    %dot_general3A_111 = arith.constant dense<0.000000e+00> : vector<1x256xf32>
    %dot_general3A_112 = tpu.matmul %broadcast_in_dim3A_105, %slice3A_100, %dot_general3A_111 {dimension_numbers = #tpu.dot_dimension_numbers<[1], [1], [0], [0], [0, 0, 1, 0], [], []>, transpose_lhs_hint = false} : vector<1x256xf32>, vector<256x256xf32>, vector<1x256xf32> -> vector<1x256xf32>
    %swap3A_113 = arith.constant 0 : index
    %swap3A_114 = arith.constant 3 : index
    %swap3A_115 = arith.constant 0 : index
    %swap3A_116 = vector.load %arg7[%swap3A_113, %swap3A_114, %swap3A_115] : memref<1x8x256xf32, #tpu.memory_space<vmem>>, vector<1x1x256xf32>
    %swap3A_117 = vector.shape_cast %swap3A_116 : vector<1x1x256xf32> to vector<1x256xf32>
    %swap3A_118 = vector.shape_cast %dot_general3A_112 : vector<1x256xf32> to vector<1x1x256xf32>
    tpu.vector_store %arg7[%swap3A_113, %swap3A_114, %swap3A_115], %swap3A_118 {strides = array<i32>} : memref<1x8x256xf32, #tpu.memory_space<vmem>>, vector<1x1x256xf32>,
    %dot_general3A_119 = arith.constant dense<0.000000e+00> : vector<256x1xf32>
    %dot_general3A_120 = tpu.matmul %slice3A_100, %broadcast_in_dim3A_110, %dot_general3A_119 {dimension_numbers = #tpu.dot_dimension_numbers<[1], [1], [0], [0], [0, 0, 1, 0], [], []>, transpose_lhs_hint = false} : vector<256x256xf32>, vector<1x256xf32>, vector<256x1xf32> -> vector<256x1xf32>
    %swap3A_121 = arith.constant 0 : index
    %swap3A_122 = arith.constant 0 : index
    %swap3A_123 = arith.constant 3 : index
    %swap3A_124 = vector.load %arg8[%swap3A_121, %swap3A_122, %swap3A_123] : memref<1x256x4xf32, #tpu.memory_space<vmem>>, vector<1x256x1xf32>
    %swap3A_125 = vector.shape_cast %swap3A_124 : vector<1x256x1xf32> to vector<256x1xf32>
    %swap3A_126 = vector.shape_cast %dot_general3A_120 : vector<256x1xf32> to vector<1x256x1xf32>
    tpu.vector_store %arg8[%swap3A_121, %swap3A_122, %swap3A_123], %swap3A_126 {strides = array<i32>} : memref<1x256x4xf32, #tpu.memory_space<vmem>>, vector<1x256x1xf32>,
    return
  }
  func.func @transform_0(%arg0: i32, %arg1: i32) -> (i32, i32, i32) {
    %c0_i32 = arith.constant 0 : i32
    %c0_i32_0 = arith.constant 0 : i32
    return %arg0, %arg1, %c0_i32 : i32, i32, i32
  }
  func.func @transform_1(%arg0: i32, %arg1: i32) -> (i32, i32) {
    %c0_i32 = arith.constant 0 : i32
    %c0_i32_0 = arith.constant 0 : i32
    %c0_i32_1 = arith.constant 0 : i32
    return %c0_i32, %c0_i32_0 : i32, i32
  }
  func.func @transform_2(%arg0: i32, %arg1: i32) -> (i32, i32) {
    %c0_i32 = arith.constant 0 : i32
    %c0_i32_0 = arith.constant 0 : i32
    %c0_i32_1 = arith.constant 0 : i32
    return %c0_i32, %c0_i32_0 : i32, i32
  }
  func.func @transform_3(%arg0: i32, %arg1: i32) -> (i32, i32) {
    %c0_i32 = arith.constant 0 : i32
    %c0_i32_0 = arith.constant 0 : i32
    %c0_i32_1 = arith.constant 0 : i32
    return %c0_i32, %c0_i32_0 : i32, i32
  }
  func.func @transform_4(%arg0: i32, %arg1: i32) -> (i32, i32, i32) {
    %c0_i32 = arith.constant 0 : i32
    %c0_i32_0 = arith.constant 0 : i32
    return %arg0, %arg1, %c0_i32 : i32, i32, i32
  }
  func.func @transform_5(%arg0: i32, %arg1: i32) -> (i32, i32, i32) {
    %c0_i32 = arith.constant 0 : i32
    %c0_i32_0 = arith.constant 0 : i32
    return %arg0, %c0_i32, %arg1 : i32, i32, i32
  }
  func.func @transform_6(%arg0: i32, %arg1: i32) -> (i32, i32, i32) {
    %c0_i32 = arith.constant 0 : i32
    %c0_i32_0 = arith.constant 0 : i32
    return %arg0, %arg1, %c0_i32 : i32, i32, i32
  }
}

module attributes {stable_mosaic.version = 14 : i64} {
  func.func @_gat_body(%arg0: i32, %arg1: i32, %arg2: i32, %arg3: memref<1x8x2048xf32, #tpu.memory_space<vmem>>, %arg4: memref<1x256x4xf32, #tpu.memory_space<vmem>>, %arg5: memref<1x256x512xf32, #tpu.memory_space<vmem>>, %arg6: memref<1x512x1024xf32, #tpu.memory_space<vmem>>, %arg7: memref<1x256x768xf32, #tpu.memory_space<vmem>>, %arg8: memref<1792x768xf32, #tpu.memory_space<vmem>>, %arg9: memref<1x1024xf32, #tpu.memory_space<vmem>>, %arg10: memref<1x768xf32, #tpu.memory_space<vmem>>, %arg11: memref<1x256x768xf32, #tpu.memory_space<vmem>>, %arg12: memref<256x1024xf32, #tpu.memory_space<vmem>>, %arg13: memref<256x4xf32, #tpu.memory_space<vmem>>) attributes {dimension_semantics = [#tpu.dimension_semantics<parallel>, #tpu.dimension_semantics<parallel>, #tpu.dimension_semantics<arbitrary>], iteration_bounds = array<i64: 4, 8, 4>, scalar_prefetch = 0 : i64, scratch_operands = 2 : i64, tpu.core_type = #tpu.core_type<tc>, window_params = [{transform_indices = @transform_0, window_bounds = array<i64: 1, 8, 2048>}, {transform_indices = @transform_1, window_bounds = array<i64: 1, 256, 4>}, {transform_indices = @transform_2, window_bounds = array<i64: 1, 256, 512>}, {transform_indices = @transform_3, window_bounds = array<i64: 1, 512, 1024>}, {transform_indices = @transform_4, window_bounds = array<i64: 1, 256, 768>}, {pipeline_mode = #tpu.pipeline_mode<synchronous>, transform_indices = @transform_5, window_bounds = array<i64: 1792, 768>}, {pipeline_mode = #tpu.pipeline_mode<synchronous>, transform_indices = @transform_6, window_bounds = array<i64: 1, 1024>}, {pipeline_mode = #tpu.pipeline_mode<synchronous>, transform_indices = @transform_7, window_bounds = array<i64: 1, 768>}, {transform_indices = @transform_8, window_bounds = array<i64: 1, 256, 768>}]} {
    %eq3A = arith.constant 0 : i32
    %eq3A_0 = arith.cmpi eq, %arg2, %eq3A : i32
    %convert_element_type3A = arith.extui %eq3A_0 : i1 to i32
    %cond3A = arith.constant 0 : i32
    %cond3A_1 = arith.cmpi ne, %convert_element_type3A, %cond3A : i32
    scf.if %cond3A_1 {
      %broadcast_in_dim3A_293 = arith.constant 0.000000e+00 : f32
      %broadcast_in_dim3A_294 = vector.broadcast %broadcast_in_dim3A_293 : f32 to vector<256x1024xf32>
      %swap3A_295 = arith.constant 0 : index
      %swap3A_296 = arith.constant 0 : index
      %swap3A_297 = vector.load %arg12[%swap3A_295, %swap3A_296] : memref<256x1024xf32, #tpu.memory_space<vmem>>, vector<256x1024xf32>
      tpu.vector_store %arg12[%swap3A_295, %swap3A_296], %broadcast_in_dim3A_294 {strides = array<i32>} : memref<256x1024xf32, #tpu.memory_space<vmem>>, vector<256x1024xf32>,
      %broadcast_in_dim3A_298 = arith.constant 0.000000e+00 : f32
      %broadcast_in_dim3A_299 = vector.broadcast %broadcast_in_dim3A_298 : f32 to vector<256x4xf32>
      %swap3A_300 = arith.constant 0 : index
      %swap3A_301 = arith.constant 0 : index
      %swap3A_302 = vector.load %arg13[%swap3A_300, %swap3A_301] : memref<256x4xf32, #tpu.memory_space<vmem>>, vector<256x4xf32>
      tpu.vector_store %arg13[%swap3A_300, %swap3A_301], %broadcast_in_dim3A_299 {strides = array<i32>} : memref<256x4xf32, #tpu.memory_space<vmem>>, vector<256x4xf32>,
    } else {
    }
    %get3A = arith.constant 0 : index
    %get3A_2 = arith.constant 0 : index
    %get3A_3 = arith.constant 0 : index
    %get3A_4 = vector.load %arg5[%get3A, %get3A_2, %get3A_3] : memref<1x256x512xf32, #tpu.memory_space<vmem>>, vector<1x256x512xf32>
    %get3A_5 = vector.shape_cast %get3A_4 : vector<1x256x512xf32> to vector<256x512xf32>
    %mul3A = arith.constant 256 : i32
    %mul3A_6 = arith.muli %arg1, %mul3A : i32
    %iota3A = tpu.iota {dimensions = array<i32: 0>} : vector<256x512xi32>
    %add3A = vector.broadcast %mul3A_6 : i32 to vector<256x512xi32>
    %add3A_7 = arith.addi %add3A, %iota3A : vector<256x512xi32>
    %mul3A_8 = arith.constant 512 : i32
    %mul3A_9 = arith.muli %arg2, %mul3A_8 : i32
    %iota3A_10 = tpu.iota {dimensions = array<i32: 1>} : vector<256x512xi32>
    %add3A_11 = vector.broadcast %mul3A_9 : i32 to vector<256x512xi32>
    %add3A_12 = arith.addi %add3A_11, %iota3A_10 : vector<256x512xi32>
    %eq3A_13 = arith.cmpi eq, %add3A_7, %add3A_12 : vector<256x512xi32>
    %convert_element_type3A_14 = arith.extui %eq3A_13 : vector<256x512xi1> to vector<256x512xi32>
    %convert_element_type3A_15 = arith.sitofp %convert_element_type3A_14 : vector<256x512xi32> to vector<256x512xf32>
    %add3A_16 = arith.addf %get3A_5, %convert_element_type3A_15 : vector<256x512xf32>
    %mul3A_17 = arith.constant 512 : i32
    %mul3A_18 = arith.muli %arg2, %mul3A_17 : i32
    %get3A_19 = arith.constant 0 : index
    %get3A_20 = arith.constant 0 : index
    %get3A_21 = arith.index_cast %mul3A_18 : i32 to index
    %get3A_22 = vector.load %arg3[%get3A_19, %get3A_20, %get3A_21] : memref<1x8x2048xf32, #tpu.memory_space<vmem>>, vector<1x1x512xf32>
    %get3A_23 = vector.shape_cast %get3A_22 : vector<1x1x512xf32> to vector<512xf32>
    %broadcast_in_dim3A = vector.shape_cast %get3A_23 : vector<512xf32> to vector<1x512xf32>
    %get3A_24 = arith.constant 0 : index
    %get3A_25 = arith.constant 0 : index
    %get3A_26 = arith.constant 0 : index
    %get3A_27 = vector.load %arg3[%get3A_24, %get3A_25, %get3A_26] : memref<1x8x2048xf32, #tpu.memory_space<vmem>>, vector<1x1x2048xf32>
    %get3A_28 = vector.shape_cast %get3A_27 : vector<1x1x2048xf32> to vector<2048xf32>
    %reduce_max3A = vector.shape_cast %get3A_28 : vector<2048xf32> to vector<1x2048xf32>
    %reduce_max3A_29 = arith.constant dense<0xFF800000> : vector<1xf32>
    %reduce_max3A_30 = vector.multi_reduction <maximumf>, %reduce_max3A, %reduce_max3A_29 [1] : vector<1x2048xf32> to vector<1xf32>
    %reduce_max3A_31 = vector.shape_cast %reduce_max3A_30 : vector<1xf32> to vector<1x1xf32>
    %reduce_max3A_32 = vector.extract %reduce_max3A_31[0, 0] : f32 from vector<1x1xf32>
    %get3A_33 = arith.constant 0 : index
    %get3A_34 = arith.constant 0 : index
    %get3A_35 = arith.constant 0 : index
    %get3A_36 = vector.load %arg4[%get3A_33, %get3A_34, %get3A_35] : memref<1x256x4xf32, #tpu.memory_space<vmem>>, vector<1x256x1xf32>
    %get3A_37 = vector.shape_cast %get3A_36 : vector<1x256x1xf32> to vector<256x1xf32>
    %add3A_38 = vector.broadcast %get3A_37 : vector<256x1xf32> to vector<256x512xf32>
    %add3A_39 = vector.broadcast %broadcast_in_dim3A : vector<1x512xf32> to vector<256x512xf32>
    %add3A_40 = arith.addf %add3A_38, %add3A_39 : vector<256x512xf32>
    %ge3A = arith.constant 0.000000e+00 : f32
    %ge3A_41 = vector.broadcast %ge3A : f32 to vector<256x512xf32>
    %ge3A_42 = arith.cmpf oge, %add3A_40, %ge3A_41 : vector<256x512xf32>
    %mul3A_43 = arith.constant 2.000000e-01 : f32
    %mul3A_44 = vector.broadcast %mul3A_43 : f32 to vector<256x512xf32>
    %mul3A_45 = arith.mulf %mul3A_44, %add3A_40 : vector<256x512xf32>
    %select_n3A = arith.select %ge3A_42, %add3A_40, %mul3A_45 : vector<256x512xi1>, vector<256x512xf32>
    %add3A_46 = vector.broadcast %reduce_max3A_32 : f32 to vector<256x1xf32>
    %add3A_47 = arith.addf %add3A_46, %get3A_37 : vector<256x1xf32>
    %ge3A_48 = arith.constant 0.000000e+00 : f32
    %ge3A_49 = vector.broadcast %ge3A_48 : f32 to vector<256x1xf32>
    %ge3A_50 = arith.cmpf oge, %add3A_47, %ge3A_49 : vector<256x1xf32>
    %mul3A_51 = arith.constant 2.000000e-01 : f32
    %mul3A_52 = vector.broadcast %mul3A_51 : f32 to vector<256x1xf32>
    %mul3A_53 = arith.mulf %mul3A_52, %add3A_47 : vector<256x1xf32>
    %select_n3A_54 = arith.select %ge3A_50, %add3A_47, %mul3A_53 : vector<256x1xi1>, vector<256x1xf32>
    %sub3A = vector.broadcast %select_n3A_54 : vector<256x1xf32> to vector<256x512xf32>
    %sub3A_55 = arith.subf %select_n3A, %sub3A : vector<256x512xf32>
    %exp3A = math.exp %sub3A_55 : vector<256x512xf32>
    %mul3A_56 = arith.mulf %exp3A, %add3A_16 : vector<256x512xf32>
    %get3A_57 = arith.constant 0 : index
    %get3A_58 = arith.constant 0 : index
    %get3A_59 = vector.load %arg13[%get3A_57, %get3A_58] : memref<256x4xf32, #tpu.memory_space<vmem>>, vector<256x1xf32>
    %reduce_sum3A = arith.constant dense<0.000000e+00> : vector<256xf32>
    %reduce_sum3A_60 = vector.multi_reduction <add>, %mul3A_56, %reduce_sum3A [1] : vector<256x512xf32> to vector<256xf32>
    %broadcast_in_dim3A_61 = vector.shape_cast %reduce_sum3A_60 : vector<256xf32> to vector<256x1xf32>
    %add3A_62 = arith.addf %get3A_59, %broadcast_in_dim3A_61 : vector<256x1xf32>
    %swap3A = arith.constant 0 : index
    %swap3A_63 = arith.constant 0 : index
    %swap3A_64 = vector.load %arg13[%swap3A, %swap3A_63] : memref<256x4xf32, #tpu.memory_space<vmem>>, vector<256x1xf32>
    tpu.vector_store %arg13[%swap3A, %swap3A_63], %add3A_62 {strides = array<i32>} : memref<256x4xf32, #tpu.memory_space<vmem>>, vector<256x1xf32>,
    %get3A_65 = arith.constant 0 : index
    %get3A_66 = arith.constant 0 : index
    %get3A_67 = arith.constant 0 : index
    %get3A_68 = vector.load %arg6[%get3A_65, %get3A_66, %get3A_67] : memref<1x512x1024xf32, #tpu.memory_space<vmem>>, vector<1x512x256xf32>
    %get3A_69 = vector.shape_cast %get3A_68 : vector<1x512x256xf32> to vector<512x256xf32>
    %get3A_70 = arith.constant 0 : index
    %get3A_71 = arith.constant 0 : index
    %get3A_72 = vector.load %arg12[%get3A_70, %get3A_71] : memref<256x1024xf32, #tpu.memory_space<vmem>>, vector<256x256xf32>
    %dot_general3A = arith.constant dense<0.000000e+00> : vector<256x256xf32>
    %dot_general3A_73 = tpu.matmul %mul3A_56, %get3A_69, %dot_general3A {dimension_numbers = #tpu.dot_dimension_numbers<[1], [0], [0], [1], [0, 0, 1, 1], [], []>, transpose_lhs_hint = false} : vector<256x512xf32>, vector<512x256xf32>, vector<256x256xf32> -> vector<256x256xf32>
    %add3A_74 = arith.addf %get3A_72, %dot_general3A_73 : vector<256x256xf32>
    %swap3A_75 = arith.constant 0 : index
    %swap3A_76 = arith.constant 0 : index
    %swap3A_77 = vector.load %arg12[%swap3A_75, %swap3A_76] : memref<256x1024xf32, #tpu.memory_space<vmem>>, vector<256x256xf32>
    tpu.vector_store %arg12[%swap3A_75, %swap3A_76], %add3A_74 {strides = array<i32>} : memref<256x1024xf32, #tpu.memory_space<vmem>>, vector<256x256xf32>,
    %mul3A_78 = arith.constant 512 : i32
    %mul3A_79 = arith.muli %arg2, %mul3A_78 : i32
    %get3A_80 = arith.constant 0 : index
    %get3A_81 = arith.constant 1 : index
    %get3A_82 = arith.index_cast %mul3A_79 : i32 to index
    %get3A_83 = vector.load %arg3[%get3A_80, %get3A_81, %get3A_82] : memref<1x8x2048xf32, #tpu.memory_space<vmem>>, vector<1x1x512xf32>
    %get3A_84 = vector.shape_cast %get3A_83 : vector<1x1x512xf32> to vector<512xf32>
    %broadcast_in_dim3A_85 = vector.shape_cast %get3A_84 : vector<512xf32> to vector<1x512xf32>
    %get3A_86 = arith.constant 0 : index
    %get3A_87 = arith.constant 1 : index
    %get3A_88 = arith.constant 0 : index
    %get3A_89 = vector.load %arg3[%get3A_86, %get3A_87, %get3A_88] : memref<1x8x2048xf32, #tpu.memory_space<vmem>>, vector<1x1x2048xf32>
    %get3A_90 = vector.shape_cast %get3A_89 : vector<1x1x2048xf32> to vector<2048xf32>
    %reduce_max3A_91 = vector.shape_cast %get3A_90 : vector<2048xf32> to vector<1x2048xf32>
    %reduce_max3A_92 = arith.constant dense<0xFF800000> : vector<1xf32>
    %reduce_max3A_93 = vector.multi_reduction <maximumf>, %reduce_max3A_91, %reduce_max3A_92 [1] : vector<1x2048xf32> to vector<1xf32>
    %reduce_max3A_94 = vector.shape_cast %reduce_max3A_93 : vector<1xf32> to vector<1x1xf32>
    %reduce_max3A_95 = vector.extract %reduce_max3A_94[0, 0] : f32 from vector<1x1xf32>
    %get3A_96 = arith.constant 0 : index
    %get3A_97 = arith.constant 0 : index
    %get3A_98 = arith.constant 1 : index
    %get3A_99 = vector.load %arg4[%get3A_96, %get3A_97, %get3A_98] : memref<1x256x4xf32, #tpu.memory_space<vmem>>, vector<1x256x1xf32>
    %get3A_100 = vector.shape_cast %get3A_99 : vector<1x256x1xf32> to vector<256x1xf32>
    %add3A_101 = vector.broadcast %get3A_100 : vector<256x1xf32> to vector<256x512xf32>
    %add3A_102 = vector.broadcast %broadcast_in_dim3A_85 : vector<1x512xf32> to vector<256x512xf32>
    %add3A_103 = arith.addf %add3A_101, %add3A_102 : vector<256x512xf32>
    %ge3A_104 = arith.constant 0.000000e+00 : f32
    %ge3A_105 = vector.broadcast %ge3A_104 : f32 to vector<256x512xf32>
    %ge3A_106 = arith.cmpf oge, %add3A_103, %ge3A_105 : vector<256x512xf32>
    %mul3A_107 = arith.constant 2.000000e-01 : f32
    %mul3A_108 = vector.broadcast %mul3A_107 : f32 to vector<256x512xf32>
    %mul3A_109 = arith.mulf %mul3A_108, %add3A_103 : vector<256x512xf32>
    %select_n3A_110 = arith.select %ge3A_106, %add3A_103, %mul3A_109 : vector<256x512xi1>, vector<256x512xf32>
    %add3A_111 = vector.broadcast %reduce_max3A_95 : f32 to vector<256x1xf32>
    %add3A_112 = arith.addf %add3A_111, %get3A_100 : vector<256x1xf32>
    %ge3A_113 = arith.constant 0.000000e+00 : f32
    %ge3A_114 = vector.broadcast %ge3A_113 : f32 to vector<256x1xf32>
    %ge3A_115 = arith.cmpf oge, %add3A_112, %ge3A_114 : vector<256x1xf32>
    %mul3A_116 = arith.constant 2.000000e-01 : f32
    %mul3A_117 = vector.broadcast %mul3A_116 : f32 to vector<256x1xf32>
    %mul3A_118 = arith.mulf %mul3A_117, %add3A_112 : vector<256x1xf32>
    %select_n3A_119 = arith.select %ge3A_115, %add3A_112, %mul3A_118 : vector<256x1xi1>, vector<256x1xf32>
    %sub3A_120 = vector.broadcast %select_n3A_119 : vector<256x1xf32> to vector<256x512xf32>
    %sub3A_121 = arith.subf %select_n3A_110, %sub3A_120 : vector<256x512xf32>
    %exp3A_122 = math.exp %sub3A_121 : vector<256x512xf32>
    %mul3A_123 = arith.mulf %exp3A_122, %add3A_16 : vector<256x512xf32>
    %get3A_124 = arith.constant 0 : index
    %get3A_125 = arith.constant 1 : index
    %get3A_126 = vector.load %arg13[%get3A_124, %get3A_125] : memref<256x4xf32, #tpu.memory_space<vmem>>, vector<256x1xf32>
    %reduce_sum3A_127 = arith.constant dense<0.000000e+00> : vector<256xf32>
    %reduce_sum3A_128 = vector.multi_reduction <add>, %mul3A_123, %reduce_sum3A_127 [1] : vector<256x512xf32> to vector<256xf32>
    %broadcast_in_dim3A_129 = vector.shape_cast %reduce_sum3A_128 : vector<256xf32> to vector<256x1xf32>
    %add3A_130 = arith.addf %get3A_126, %broadcast_in_dim3A_129 : vector<256x1xf32>
    %swap3A_131 = arith.constant 0 : index
    %swap3A_132 = arith.constant 1 : index
    %swap3A_133 = vector.load %arg13[%swap3A_131, %swap3A_132] : memref<256x4xf32, #tpu.memory_space<vmem>>, vector<256x1xf32>
    tpu.vector_store %arg13[%swap3A_131, %swap3A_132], %add3A_130 {strides = array<i32>} : memref<256x4xf32, #tpu.memory_space<vmem>>, vector<256x1xf32>,
    %get3A_134 = arith.constant 0 : index
    %get3A_135 = arith.constant 0 : index
    %get3A_136 = arith.constant 256 : index
    %get3A_137 = vector.load %arg6[%get3A_134, %get3A_135, %get3A_136] : memref<1x512x1024xf32, #tpu.memory_space<vmem>>, vector<1x512x256xf32>
    %get3A_138 = vector.shape_cast %get3A_137 : vector<1x512x256xf32> to vector<512x256xf32>
    %get3A_139 = arith.constant 0 : index
    %get3A_140 = arith.constant 256 : index
    %get3A_141 = vector.load %arg12[%get3A_139, %get3A_140] : memref<256x1024xf32, #tpu.memory_space<vmem>>, vector<256x256xf32>
    %dot_general3A_142 = arith.constant dense<0.000000e+00> : vector<256x256xf32>
    %dot_general3A_143 = tpu.matmul %mul3A_123, %get3A_138, %dot_general3A_142 {dimension_numbers = #tpu.dot_dimension_numbers<[1], [0], [0], [1], [0, 0, 1, 1], [], []>, transpose_lhs_hint = false} : vector<256x512xf32>, vector<512x256xf32>, vector<256x256xf32> -> vector<256x256xf32>
    %add3A_144 = arith.addf %get3A_141, %dot_general3A_143 : vector<256x256xf32>
    %swap3A_145 = arith.constant 0 : index
    %swap3A_146 = arith.constant 256 : index
    %swap3A_147 = vector.load %arg12[%swap3A_145, %swap3A_146] : memref<256x1024xf32, #tpu.memory_space<vmem>>, vector<256x256xf32>
    tpu.vector_store %arg12[%swap3A_145, %swap3A_146], %add3A_144 {strides = array<i32>} : memref<256x1024xf32, #tpu.memory_space<vmem>>, vector<256x256xf32>,
    %mul3A_148 = arith.constant 512 : i32
    %mul3A_149 = arith.muli %arg2, %mul3A_148 : i32
    %get3A_150 = arith.constant 0 : index
    %get3A_151 = arith.constant 2 : index
    %get3A_152 = arith.index_cast %mul3A_149 : i32 to index
    %get3A_153 = vector.load %arg3[%get3A_150, %get3A_151, %get3A_152] : memref<1x8x2048xf32, #tpu.memory_space<vmem>>, vector<1x1x512xf32>
    %get3A_154 = vector.shape_cast %get3A_153 : vector<1x1x512xf32> to vector<512xf32>
    %broadcast_in_dim3A_155 = vector.shape_cast %get3A_154 : vector<512xf32> to vector<1x512xf32>
    %get3A_156 = arith.constant 0 : index
    %get3A_157 = arith.constant 2 : index
    %get3A_158 = arith.constant 0 : index
    %get3A_159 = vector.load %arg3[%get3A_156, %get3A_157, %get3A_158] : memref<1x8x2048xf32, #tpu.memory_space<vmem>>, vector<1x1x2048xf32>
    %get3A_160 = vector.shape_cast %get3A_159 : vector<1x1x2048xf32> to vector<2048xf32>
    %reduce_max3A_161 = vector.shape_cast %get3A_160 : vector<2048xf32> to vector<1x2048xf32>
    %reduce_max3A_162 = arith.constant dense<0xFF800000> : vector<1xf32>
    %reduce_max3A_163 = vector.multi_reduction <maximumf>, %reduce_max3A_161, %reduce_max3A_162 [1] : vector<1x2048xf32> to vector<1xf32>
    %reduce_max3A_164 = vector.shape_cast %reduce_max3A_163 : vector<1xf32> to vector<1x1xf32>
    %reduce_max3A_165 = vector.extract %reduce_max3A_164[0, 0] : f32 from vector<1x1xf32>
    %get3A_166 = arith.constant 0 : index
    %get3A_167 = arith.constant 0 : index
    %get3A_168 = arith.constant 2 : index
    %get3A_169 = vector.load %arg4[%get3A_166, %get3A_167, %get3A_168] : memref<1x256x4xf32, #tpu.memory_space<vmem>>, vector<1x256x1xf32>
    %get3A_170 = vector.shape_cast %get3A_169 : vector<1x256x1xf32> to vector<256x1xf32>
    %add3A_171 = vector.broadcast %get3A_170 : vector<256x1xf32> to vector<256x512xf32>
    %add3A_172 = vector.broadcast %broadcast_in_dim3A_155 : vector<1x512xf32> to vector<256x512xf32>
    %add3A_173 = arith.addf %add3A_171, %add3A_172 : vector<256x512xf32>
    %ge3A_174 = arith.constant 0.000000e+00 : f32
    %ge3A_175 = vector.broadcast %ge3A_174 : f32 to vector<256x512xf32>
    %ge3A_176 = arith.cmpf oge, %add3A_173, %ge3A_175 : vector<256x512xf32>
    %mul3A_177 = arith.constant 2.000000e-01 : f32
    %mul3A_178 = vector.broadcast %mul3A_177 : f32 to vector<256x512xf32>
    %mul3A_179 = arith.mulf %mul3A_178, %add3A_173 : vector<256x512xf32>
    %select_n3A_180 = arith.select %ge3A_176, %add3A_173, %mul3A_179 : vector<256x512xi1>, vector<256x512xf32>
    %add3A_181 = vector.broadcast %reduce_max3A_165 : f32 to vector<256x1xf32>
    %add3A_182 = arith.addf %add3A_181, %get3A_170 : vector<256x1xf32>
    %ge3A_183 = arith.constant 0.000000e+00 : f32
    %ge3A_184 = vector.broadcast %ge3A_183 : f32 to vector<256x1xf32>
    %ge3A_185 = arith.cmpf oge, %add3A_182, %ge3A_184 : vector<256x1xf32>
    %mul3A_186 = arith.constant 2.000000e-01 : f32
    %mul3A_187 = vector.broadcast %mul3A_186 : f32 to vector<256x1xf32>
    %mul3A_188 = arith.mulf %mul3A_187, %add3A_182 : vector<256x1xf32>
    %select_n3A_189 = arith.select %ge3A_185, %add3A_182, %mul3A_188 : vector<256x1xi1>, vector<256x1xf32>
    %sub3A_190 = vector.broadcast %select_n3A_189 : vector<256x1xf32> to vector<256x512xf32>
    %sub3A_191 = arith.subf %select_n3A_180, %sub3A_190 : vector<256x512xf32>
    %exp3A_192 = math.exp %sub3A_191 : vector<256x512xf32>
    %mul3A_193 = arith.mulf %exp3A_192, %add3A_16 : vector<256x512xf32>
    %get3A_194 = arith.constant 0 : index
    %get3A_195 = arith.constant 2 : index
    %get3A_196 = vector.load %arg13[%get3A_194, %get3A_195] : memref<256x4xf32, #tpu.memory_space<vmem>>, vector<256x1xf32>
    %reduce_sum3A_197 = arith.constant dense<0.000000e+00> : vector<256xf32>
    %reduce_sum3A_198 = vector.multi_reduction <add>, %mul3A_193, %reduce_sum3A_197 [1] : vector<256x512xf32> to vector<256xf32>
    %broadcast_in_dim3A_199 = vector.shape_cast %reduce_sum3A_198 : vector<256xf32> to vector<256x1xf32>
    %add3A_200 = arith.addf %get3A_196, %broadcast_in_dim3A_199 : vector<256x1xf32>
    %swap3A_201 = arith.constant 0 : index
    %swap3A_202 = arith.constant 2 : index
    %swap3A_203 = vector.load %arg13[%swap3A_201, %swap3A_202] : memref<256x4xf32, #tpu.memory_space<vmem>>, vector<256x1xf32>
    tpu.vector_store %arg13[%swap3A_201, %swap3A_202], %add3A_200 {strides = array<i32>} : memref<256x4xf32, #tpu.memory_space<vmem>>, vector<256x1xf32>,
    %get3A_204 = arith.constant 0 : index
    %get3A_205 = arith.constant 0 : index
    %get3A_206 = arith.constant 512 : index
    %get3A_207 = vector.load %arg6[%get3A_204, %get3A_205, %get3A_206] : memref<1x512x1024xf32, #tpu.memory_space<vmem>>, vector<1x512x256xf32>
    %get3A_208 = vector.shape_cast %get3A_207 : vector<1x512x256xf32> to vector<512x256xf32>
    %get3A_209 = arith.constant 0 : index
    %get3A_210 = arith.constant 512 : index
    %get3A_211 = vector.load %arg12[%get3A_209, %get3A_210] : memref<256x1024xf32, #tpu.memory_space<vmem>>, vector<256x256xf32>
    %dot_general3A_212 = arith.constant dense<0.000000e+00> : vector<256x256xf32>
    %dot_general3A_213 = tpu.matmul %mul3A_193, %get3A_208, %dot_general3A_212 {dimension_numbers = #tpu.dot_dimension_numbers<[1], [0], [0], [1], [0, 0, 1, 1], [], []>, transpose_lhs_hint = false} : vector<256x512xf32>, vector<512x256xf32>, vector<256x256xf32> -> vector<256x256xf32>
    %add3A_214 = arith.addf %get3A_211, %dot_general3A_213 : vector<256x256xf32>
    %swap3A_215 = arith.constant 0 : index
    %swap3A_216 = arith.constant 512 : index
    %swap3A_217 = vector.load %arg12[%swap3A_215, %swap3A_216] : memref<256x1024xf32, #tpu.memory_space<vmem>>, vector<256x256xf32>
    tpu.vector_store %arg12[%swap3A_215, %swap3A_216], %add3A_214 {strides = array<i32>} : memref<256x1024xf32, #tpu.memory_space<vmem>>, vector<256x256xf32>,
    %mul3A_218 = arith.constant 512 : i32
    %mul3A_219 = arith.muli %arg2, %mul3A_218 : i32
    %get3A_220 = arith.constant 0 : index
    %get3A_221 = arith.constant 3 : index
    %get3A_222 = arith.index_cast %mul3A_219 : i32 to index
    %get3A_223 = vector.load %arg3[%get3A_220, %get3A_221, %get3A_222] : memref<1x8x2048xf32, #tpu.memory_space<vmem>>, vector<1x1x512xf32>
    %get3A_224 = vector.shape_cast %get3A_223 : vector<1x1x512xf32> to vector<512xf32>
    %broadcast_in_dim3A_225 = vector.shape_cast %get3A_224 : vector<512xf32> to vector<1x512xf32>
    %get3A_226 = arith.constant 0 : index
    %get3A_227 = arith.constant 3 : index
    %get3A_228 = arith.constant 0 : index
    %get3A_229 = vector.load %arg3[%get3A_226, %get3A_227, %get3A_228] : memref<1x8x2048xf32, #tpu.memory_space<vmem>>, vector<1x1x2048xf32>
    %get3A_230 = vector.shape_cast %get3A_229 : vector<1x1x2048xf32> to vector<2048xf32>
    %reduce_max3A_231 = vector.shape_cast %get3A_230 : vector<2048xf32> to vector<1x2048xf32>
    %reduce_max3A_232 = arith.constant dense<0xFF800000> : vector<1xf32>
    %reduce_max3A_233 = vector.multi_reduction <maximumf>, %reduce_max3A_231, %reduce_max3A_232 [1] : vector<1x2048xf32> to vector<1xf32>
    %reduce_max3A_234 = vector.shape_cast %reduce_max3A_233 : vector<1xf32> to vector<1x1xf32>
    %reduce_max3A_235 = vector.extract %reduce_max3A_234[0, 0] : f32 from vector<1x1xf32>
    %get3A_236 = arith.constant 0 : index
    %get3A_237 = arith.constant 0 : index
    %get3A_238 = arith.constant 3 : index
    %get3A_239 = vector.load %arg4[%get3A_236, %get3A_237, %get3A_238] : memref<1x256x4xf32, #tpu.memory_space<vmem>>, vector<1x256x1xf32>
    %get3A_240 = vector.shape_cast %get3A_239 : vector<1x256x1xf32> to vector<256x1xf32>
    %add3A_241 = vector.broadcast %get3A_240 : vector<256x1xf32> to vector<256x512xf32>
    %add3A_242 = vector.broadcast %broadcast_in_dim3A_225 : vector<1x512xf32> to vector<256x512xf32>
    %add3A_243 = arith.addf %add3A_241, %add3A_242 : vector<256x512xf32>
    %ge3A_244 = arith.constant 0.000000e+00 : f32
    %ge3A_245 = vector.broadcast %ge3A_244 : f32 to vector<256x512xf32>
    %ge3A_246 = arith.cmpf oge, %add3A_243, %ge3A_245 : vector<256x512xf32>
    %mul3A_247 = arith.constant 2.000000e-01 : f32
    %mul3A_248 = vector.broadcast %mul3A_247 : f32 to vector<256x512xf32>
    %mul3A_249 = arith.mulf %mul3A_248, %add3A_243 : vector<256x512xf32>
    %select_n3A_250 = arith.select %ge3A_246, %add3A_243, %mul3A_249 : vector<256x512xi1>, vector<256x512xf32>
    %add3A_251 = vector.broadcast %reduce_max3A_235 : f32 to vector<256x1xf32>
    %add3A_252 = arith.addf %add3A_251, %get3A_240 : vector<256x1xf32>
    %ge3A_253 = arith.constant 0.000000e+00 : f32
    %ge3A_254 = vector.broadcast %ge3A_253 : f32 to vector<256x1xf32>
    %ge3A_255 = arith.cmpf oge, %add3A_252, %ge3A_254 : vector<256x1xf32>
    %mul3A_256 = arith.constant 2.000000e-01 : f32
    %mul3A_257 = vector.broadcast %mul3A_256 : f32 to vector<256x1xf32>
    %mul3A_258 = arith.mulf %mul3A_257, %add3A_252 : vector<256x1xf32>
    %select_n3A_259 = arith.select %ge3A_255, %add3A_252, %mul3A_258 : vector<256x1xi1>, vector<256x1xf32>
    %sub3A_260 = vector.broadcast %select_n3A_259 : vector<256x1xf32> to vector<256x512xf32>
    %sub3A_261 = arith.subf %select_n3A_250, %sub3A_260 : vector<256x512xf32>
    %exp3A_262 = math.exp %sub3A_261 : vector<256x512xf32>
    %mul3A_263 = arith.mulf %exp3A_262, %add3A_16 : vector<256x512xf32>
    %get3A_264 = arith.constant 0 : index
    %get3A_265 = arith.constant 3 : index
    %get3A_266 = vector.load %arg13[%get3A_264, %get3A_265] : memref<256x4xf32, #tpu.memory_space<vmem>>, vector<256x1xf32>
    %reduce_sum3A_267 = arith.constant dense<0.000000e+00> : vector<256xf32>
    %reduce_sum3A_268 = vector.multi_reduction <add>, %mul3A_263, %reduce_sum3A_267 [1] : vector<256x512xf32> to vector<256xf32>
    %broadcast_in_dim3A_269 = vector.shape_cast %reduce_sum3A_268 : vector<256xf32> to vector<256x1xf32>
    %add3A_270 = arith.addf %get3A_266, %broadcast_in_dim3A_269 : vector<256x1xf32>
    %swap3A_271 = arith.constant 0 : index
    %swap3A_272 = arith.constant 3 : index
    %swap3A_273 = vector.load %arg13[%swap3A_271, %swap3A_272] : memref<256x4xf32, #tpu.memory_space<vmem>>, vector<256x1xf32>
    tpu.vector_store %arg13[%swap3A_271, %swap3A_272], %add3A_270 {strides = array<i32>} : memref<256x4xf32, #tpu.memory_space<vmem>>, vector<256x1xf32>,
    %get3A_274 = arith.constant 0 : index
    %get3A_275 = arith.constant 0 : index
    %get3A_276 = arith.constant 768 : index
    %get3A_277 = vector.load %arg6[%get3A_274, %get3A_275, %get3A_276] : memref<1x512x1024xf32, #tpu.memory_space<vmem>>, vector<1x512x256xf32>
    %get3A_278 = vector.shape_cast %get3A_277 : vector<1x512x256xf32> to vector<512x256xf32>
    %get3A_279 = arith.constant 0 : index
    %get3A_280 = arith.constant 768 : index
    %get3A_281 = vector.load %arg12[%get3A_279, %get3A_280] : memref<256x1024xf32, #tpu.memory_space<vmem>>, vector<256x256xf32>
    %dot_general3A_282 = arith.constant dense<0.000000e+00> : vector<256x256xf32>
    %dot_general3A_283 = tpu.matmul %mul3A_263, %get3A_278, %dot_general3A_282 {dimension_numbers = #tpu.dot_dimension_numbers<[1], [0], [0], [1], [0, 0, 1, 1], [], []>, transpose_lhs_hint = false} : vector<256x512xf32>, vector<512x256xf32>, vector<256x256xf32> -> vector<256x256xf32>
    %add3A_284 = arith.addf %get3A_281, %dot_general3A_283 : vector<256x256xf32>
    %swap3A_285 = arith.constant 0 : index
    %swap3A_286 = arith.constant 768 : index
    %swap3A_287 = vector.load %arg12[%swap3A_285, %swap3A_286] : memref<256x1024xf32, #tpu.memory_space<vmem>>, vector<256x256xf32>
    tpu.vector_store %arg12[%swap3A_285, %swap3A_286], %add3A_284 {strides = array<i32>} : memref<256x1024xf32, #tpu.memory_space<vmem>>, vector<256x256xf32>,
    %eq3A_288 = arith.constant 3 : i32
    %eq3A_289 = arith.cmpi eq, %arg2, %eq3A_288 : i32
    %convert_element_type3A_290 = arith.extui %eq3A_289 : i1 to i32
    %cond3A_291 = arith.constant 0 : i32
    %cond3A_292 = arith.cmpi ne, %convert_element_type3A_290, %cond3A_291 : i32
    scf.if %cond3A_292 {
      %get3A_293 = arith.constant 0 : index
      %get3A_294 = arith.constant 0 : index
      %get3A_295 = vector.load %arg12[%get3A_293, %get3A_294] : memref<256x1024xf32, #tpu.memory_space<vmem>>, vector<256x256xf32>
      %get3A_296 = arith.constant 0 : index
      %get3A_297 = arith.constant 0 : index
      %get3A_298 = vector.load %arg13[%get3A_296, %get3A_297] : memref<256x4xf32, #tpu.memory_space<vmem>>, vector<256x1xf32>
      %div3A = vector.broadcast %get3A_298 : vector<256x1xf32> to vector<256x256xf32>
      %div3A_299 = arith.divf %get3A_295, %div3A : vector<256x256xf32>
      %get3A_300 = arith.constant 0 : index
      %get3A_301 = arith.constant 256 : index
      %get3A_302 = vector.load %arg12[%get3A_300, %get3A_301] : memref<256x1024xf32, #tpu.memory_space<vmem>>, vector<256x256xf32>
      %get3A_303 = arith.constant 0 : index
      %get3A_304 = arith.constant 1 : index
      %get3A_305 = vector.load %arg13[%get3A_303, %get3A_304] : memref<256x4xf32, #tpu.memory_space<vmem>>, vector<256x1xf32>
      %div3A_306 = vector.broadcast %get3A_305 : vector<256x1xf32> to vector<256x256xf32>
      %div3A_307 = arith.divf %get3A_302, %div3A_306 : vector<256x256xf32>
      %get3A_308 = arith.constant 0 : index
      %get3A_309 = arith.constant 512 : index
      %get3A_310 = vector.load %arg12[%get3A_308, %get3A_309] : memref<256x1024xf32, #tpu.memory_space<vmem>>, vector<256x256xf32>
      %get3A_311 = arith.constant 0 : index
      %get3A_312 = arith.constant 2 : index
      %get3A_313 = vector.load %arg13[%get3A_311, %get3A_312] : memref<256x4xf32, #tpu.memory_space<vmem>>, vector<256x1xf32>
      %div3A_314 = vector.broadcast %get3A_313 : vector<256x1xf32> to vector<256x256xf32>
      %div3A_315 = arith.divf %get3A_310, %div3A_314 : vector<256x256xf32>
      %get3A_316 = arith.constant 0 : index
      %get3A_317 = arith.constant 768 : index
      %get3A_318 = vector.load %arg12[%get3A_316, %get3A_317] : memref<256x1024xf32, #tpu.memory_space<vmem>>, vector<256x256xf32>
      %get3A_319 = arith.constant 0 : index
      %get3A_320 = arith.constant 3 : index
      %get3A_321 = vector.load %arg13[%get3A_319, %get3A_320] : memref<256x4xf32, #tpu.memory_space<vmem>>, vector<256x1xf32>
      %div3A_322 = vector.broadcast %get3A_321 : vector<256x1xf32> to vector<256x256xf32>
      %div3A_323 = arith.divf %get3A_318, %div3A_322 : vector<256x256xf32>
      %concatenate3A = tpu.concatenate %div3A_299, %div3A_307, %div3A_315, %div3A_323 in 1 : vector<256x256xf32>, vector<256x256xf32>, vector<256x256xf32>, vector<256x256xf32> -> vector<256x1024xf32>
      %get3A_324 = arith.constant 0 : index
      %get3A_325 = arith.constant 0 : index
      %get3A_326 = vector.load %arg9[%get3A_324, %get3A_325] : memref<1x1024xf32, #tpu.memory_space<vmem>>, vector<1x1024xf32>
      %get3A_327 = vector.shape_cast %get3A_326 : vector<1x1024xf32> to vector<1024xf32>
      %broadcast_in_dim3A_328 = vector.shape_cast %get3A_327 : vector<1024xf32> to vector<1x1024xf32>
      %add3A_329 = vector.broadcast %broadcast_in_dim3A_328 : vector<1x1024xf32> to vector<256x1024xf32>
      %add3A_330 = arith.addf %concatenate3A, %add3A_329 : vector<256x1024xf32>
      %get3A_331 = arith.constant 0 : index
      %get3A_332 = arith.constant 0 : index
      %get3A_333 = arith.constant 0 : index
      %get3A_334 = vector.load %arg7[%get3A_331, %get3A_332, %get3A_333] : memref<1x256x768xf32, #tpu.memory_space<vmem>>, vector<1x256x768xf32>
      %get3A_335 = vector.shape_cast %get3A_334 : vector<1x256x768xf32> to vector<256x768xf32>
      %get3A_336 = arith.constant 0 : index
      %get3A_337 = arith.constant 0 : index
      %get3A_338 = vector.load %arg8[%get3A_336, %get3A_337] : memref<1792x768xf32, #tpu.memory_space<vmem>>, vector<768x768xf32>
      %dot_general3A_339 = arith.constant dense<0.000000e+00> : vector<256x768xf32>
      %dot_general3A_340 = tpu.matmul %get3A_335, %get3A_338, %dot_general3A_339 {dimension_numbers = #tpu.dot_dimension_numbers<[1], [0], [0], [1], [0, 0, 1, 1], [], []>, transpose_lhs_hint = false} : vector<256x768xf32>, vector<768x768xf32>, vector<256x768xf32> -> vector<256x768xf32>
      %get3A_341 = arith.constant 768 : index
      %get3A_342 = arith.constant 0 : index
      %get3A_343 = vector.load %arg8[%get3A_341, %get3A_342] : memref<1792x768xf32, #tpu.memory_space<vmem>>, vector<1024x768xf32>
      %dot_general3A_344 = arith.constant dense<0.000000e+00> : vector<256x768xf32>
      %dot_general3A_345 = tpu.matmul %add3A_330, %get3A_343, %dot_general3A_344 {dimension_numbers = #tpu.dot_dimension_numbers<[1], [0], [0], [1], [0, 0, 1, 1], [], []>, transpose_lhs_hint = false} : vector<256x1024xf32>, vector<1024x768xf32>, vector<256x768xf32> -> vector<256x768xf32>
      %add3A_346 = arith.addf %dot_general3A_340, %dot_general3A_345 : vector<256x768xf32>
      %get3A_347 = arith.constant 0 : index
      %get3A_348 = arith.constant 0 : index
      %get3A_349 = vector.load %arg10[%get3A_347, %get3A_348] : memref<1x768xf32, #tpu.memory_space<vmem>>, vector<1x768xf32>
      %get3A_350 = vector.shape_cast %get3A_349 : vector<1x768xf32> to vector<768xf32>
      %broadcast_in_dim3A_351 = vector.shape_cast %get3A_350 : vector<768xf32> to vector<1x768xf32>
      %add3A_352 = vector.broadcast %broadcast_in_dim3A_351 : vector<1x768xf32> to vector<256x768xf32>
      %add3A_353 = arith.addf %add3A_346, %add3A_352 : vector<256x768xf32>
      %swap3A_354 = arith.constant 0 : index
      %swap3A_355 = arith.constant 0 : index
      %swap3A_356 = arith.constant 0 : index
      %swap3A_357 = vector.load %arg11[%swap3A_354, %swap3A_355, %swap3A_356] : memref<1x256x768xf32, #tpu.memory_space<vmem>>, vector<1x256x768xf32>
      %swap3A_358 = vector.shape_cast %swap3A_357 : vector<1x256x768xf32> to vector<256x768xf32>
      %swap3A_359 = vector.shape_cast %add3A_353 : vector<256x768xf32> to vector<1x256x768xf32>
      tpu.vector_store %arg11[%swap3A_354, %swap3A_355, %swap3A_356], %swap3A_359 {strides = array<i32>} : memref<1x256x768xf32, #tpu.memory_space<vmem>>, vector<1x256x768xf32>,
    } else {
    }
    return
  }
  func.func @transform_0(%arg0: i32, %arg1: i32, %arg2: i32) -> (i32, i32, i32) {
    %c0_i32 = arith.constant 0 : i32
    %c0_i32_0 = arith.constant 0 : i32
    %c0_i32_1 = arith.constant 0 : i32
    return %arg0, %c0_i32, %c0_i32_0 : i32, i32, i32
  }
  func.func @transform_1(%arg0: i32, %arg1: i32, %arg2: i32) -> (i32, i32, i32) {
    %c0_i32 = arith.constant 0 : i32
    %c0_i32_0 = arith.constant 0 : i32
    return %arg0, %arg1, %c0_i32 : i32, i32, i32
  }
  func.func @transform_2(%arg0: i32, %arg1: i32, %arg2: i32) -> (i32, i32, i32) {
    %c0_i32 = arith.constant 0 : i32
    return %arg0, %arg1, %arg2 : i32, i32, i32
  }
  func.func @transform_3(%arg0: i32, %arg1: i32, %arg2: i32) -> (i32, i32, i32) {
    %c0_i32 = arith.constant 0 : i32
    %c0_i32_0 = arith.constant 0 : i32
    return %arg0, %arg2, %c0_i32 : i32, i32, i32
  }
  func.func @transform_4(%arg0: i32, %arg1: i32, %arg2: i32) -> (i32, i32, i32) {
    %c0_i32 = arith.constant 0 : i32
    %c0_i32_0 = arith.constant 0 : i32
    return %arg0, %arg1, %c0_i32 : i32, i32, i32
  }
  func.func @transform_5(%arg0: i32, %arg1: i32, %arg2: i32) -> (i32, i32) {
    %c0_i32 = arith.constant 0 : i32
    %c0_i32_0 = arith.constant 0 : i32
    %c0_i32_1 = arith.constant 0 : i32
    return %c0_i32, %c0_i32_0 : i32, i32
  }
  func.func @transform_6(%arg0: i32, %arg1: i32, %arg2: i32) -> (i32, i32) {
    %c0_i32 = arith.constant 0 : i32
    %c0_i32_0 = arith.constant 0 : i32
    %c0_i32_1 = arith.constant 0 : i32
    return %c0_i32, %c0_i32_0 : i32, i32
  }
  func.func @transform_7(%arg0: i32, %arg1: i32, %arg2: i32) -> (i32, i32) {
    %c0_i32 = arith.constant 0 : i32
    %c0_i32_0 = arith.constant 0 : i32
    %c0_i32_1 = arith.constant 0 : i32
    return %c0_i32, %c0_i32_0 : i32, i32
  }
  func.func @transform_8(%arg0: i32, %arg1: i32, %arg2: i32) -> (i32, i32, i32) {
    %c0_i32 = arith.constant 0 : i32
    %c0_i32_0 = arith.constant 0 : i32
    return %arg0, %arg1, %c0_i32 : i32, i32, i32
  }
}

</mosaic_0001>

<sc_bundles>
// kernel: scatter_offload_async_start
scs
__scs_entry_jumppad:
0x0: {  	(pc) =	sbr.rel $0x88, $3  }
0x1: {  	(tag) =	ssettag $0x0;
	lr =	simm.s32 $0x1  }
0x2: {  	[smem:$0x3F99] =	sst lr;
	_ =	strace $0xD0000000  }
0x3: {  	_ = 	snop  }
0x4: {  	_ = 	snop  }
0x5: {  	_ = 	snop  }
0x6: {  	_ = 	snop  }
0x7: {  	_ = 	snop  }
__scs_overlays_trampoline_lowered:
0x8: {  	[smem:$0x3FA8] =	sst s0  }
0x9: {  	[smem:$0x3FA9] =	sst s1  }
0xa: {  	[smem:$0x3FAA] =	sst s2  }
0xb: {  	[smem:$0x3FAB] =	sst s3  }
0xc: {  	[smem:$0x3FAC] =	sst s4  }
0xd: {  	[smem:$0x3FAD] =	sst s5  }
0xe: {  	[smem:$0x3FAE] =	sst s6  }
0xf: {  	[smem:$0x3FAF] =	sst s7  }
0x10: {  	[smem:$0x3FB0] =	sst s8  }
0x11: {  	[smem:$0x3FB1] =	sst s9;
	s0 =	simm.s32 @!p0 $0x0  }
0x12: {  	s1 =	sld [smem:$0x3F97];
	s0 =	simm.s32 @p0 $0x1  }
0x13: {  	[smem:$0x3FB2] =	sst s0;
	s0 =	simm.s32 @!p1 $0x0  }
0x14: {  	s2 =	sld [smem:$0x3F96];
	s0 =	simm.s32 @p1 $0x1  }
0x15: {  	[smem:$0x3FB3] =	sst s0;
	s0 =	simm.s32 @!p2 $0x0  }
0x16: {  	s3 =	sld [smem:$0x3FDB];
	s0 =	simm.s32 @p2 $0x1  }
0x17: {  	s4 =	simm.s32 $0x1BF5;
	[smem:$0x3FB5] =	sst s0  }
0x18: {  	s0 =	sld [smem:$0x3F98];
	_ =	swait.ge [sflag:s4], $0x0  }
0x19: {  	s7 =	sld [smem:$0x3F99]  }
0x1a: {  	s8 =	sadd.s32 $0xFFFFE003, lr  }
0x1b: {  	s9 =	sadd.s32 $0xFFFFFEF7, lr;
	s5 =	simm.s32 $0xFFFFFFFF;
	p2 =	slt.u32 s8, $0xFFFFF086  }
0x1c: {  	p1 =	slt.u32 s9, $0xF7A;
	s5 =	simm.s32 @!p2 $0x0  }
0x1d: {  	s5 =	simm.s32 @p1 $0x1;
	p0 =	seq.s32 s7, s2  }
0x1e: {  	s7 =	smul.u32 @!p0 $0xF7A, s2;
	p2 =	seq.s32 @!p0 s5, $0x0  }
0x1f: {  	s9 =	smul.u32 $0xF7A, s1;
	s8 =	simm.s32 @!p0 $0x1BF5;
	p2 =	por !p2, p0  }
0x20: {  	[sflag:s8] =	ssyncset.s32 @!p0 $0xFFFFF086;
	s6 =	sadd.s32 @!p0 s3, s7;
	s7 =	simm.s32 @!p0 $0x108  }
0x21: {  	s3 =	sadd.s32 s3, s9;
	s6 =	sadd.s32 @!p0 $0x88, s6;
	s7 =	simm.s32 @p2 $0x1082  }
0x22: {  	[simem:s7], [sflag:s8] =	dma.local @!p0 [hbm:s6], $0xF7A  }
0x23: {  	s9 =	sor.u32 $0xD0000000, s2;
	s6 =	simm.s32 $0x108;
	_ =	swait.ge @!p0 [sflag:s8], $0x0  }
0x24: {  	s3 =	sadd.s32 $0x88, s3;
	s6 =	simm.s32 @!p1 $0x1082;
	[sflag:s4] =	ssyncset.s32 $0xFFFFF086  }
0x25: {  	[simem:s6], [sflag:s4] =	dma.local [hbm:s3], $0xF7A  }
0x26: {  	[smem:$0x3F99] =	sst s1;
	(tag) =	ssettag s2;
	_ =	strace s9  }
0x27: {  	s1 =	sld [smem:$0x3FA9]  }
0x28: {  	s2 =	sld [smem:$0x3FAA]  }
0x29: {  	s4 =	sld [smem:$0x3FAC]  }
0x2a: {  	p0 =	seq.s32 s5, $0x0;
	s5 =	sld [smem:$0x3FAD]  }
0x2b: {  	s6 =	sld [smem:$0x3FAE]  }
0x2c: {  	s7 =	sld [smem:$0x3FAF]  }
0x2d: {  	s3 =	simm.s32 $0x108;
	s8 =	sld [smem:$0x3FB0]  }
0x2e: {  	s3 =	simm.s32 @!p0 $0x1082;
	s9 =	sld [smem:$0x3FB1]  }
0x2f: {  	lr =	sadd.s32 s0, s3;
	s0 =	sld [smem:$0x3FA8]  }
0x30: {  	s3 =	sld [smem:$0x3FAB]  }
0x31: {  	[smem:$0x3FB4] =	sst s10  }
0x32: {  	s10 =	sld [smem:$0x3FB2];
	_ =	sdelay $0x3  }
0x33: {  	p0 =	seq.s32 s10, $0x1;
	s10 =	sld [smem:$0x3FB4];
	_ =	sdelay $0x3  }
0x34: {  	[smem:$0x3FB4] =	sst s10  }
0x35: {  	s10 =	sld [smem:$0x3FB3];
	_ =	sdelay $0x3  }
0x36: {  	p1 =	seq.s32 s10, $0x1;
	s10 =	sld [smem:$0x3FB4];
	_ =	sdelay $0x3  }
0x37: {  	[smem:$0x3FB4] =	sst s10  }
0x38: {  	s10 =	sld [smem:$0x3FB5]  }
0x39: {  	_ = 	snop;
	(pc) =	sbr.ind lr, $3  }
0x3a: {  	_ = 	snop  }
0x3b: {  	_ = 	snop  }
0x3c: {  	p2 =	seq.s32 s10, $0x1;
	s10 =	sld [smem:$0x3FB4]  }
0x3d: {  	_ =	shalt  }
0x3e: {  	_ =	shalt  }
0x3f: {  	_ =	shalt  }
0x40: {  	_ =	shalt  }
0x41: {  	_ =	shalt  }
0x42: {  	_ =	shalt  }
0x43: {  	_ =	shalt  }
0x44: {  	_ =	shalt  }
0x45: {  	_ =	shalt  }
0x46: {  	_ =	shalt  }
0x47: {  	_ =	shalt  }
0x48: {  	_ =	shalt  }
0x49: {  	_ =	shalt  }
0x4a: {  	_ =	shalt  }
0x4b: {  	_ =	shalt  }
0x4c: {  	_ =	shalt  }
0x4d: {  	_ =	shalt  }
0x4e: {  	_ =	shalt  }
0x4f: {  	_ =	shalt  }
0x50: {  	_ =	shalt  }
0x51: {  	_ =	shalt  }
0x52: {  	_ =	shalt  }
0x53: {  	_ =	shalt  }
0x54: {  	_ =	shalt  }
0x55: {  	_ =	shalt  }
0x56: {  	_ =	shalt  }
0x57: {  	_ =	shalt  }
0x58: {  	_ =	shalt  }
0x59: {  	_ =	shalt  }
0x5a: {  	_ =	shalt  }
0x5b: {  	_ =	shalt  }
0x5c: {  	_ =	shalt  }
0x5d: {  	_ =	shalt  }
0x5e: {  	_ =	shalt  }
0x5f: {  	_ =	shalt  }
0x60: {  	_ =	shalt  }
0x61: {  	_ =	shalt  }
0x62: {  	_ =	shalt  }
0x63: {  	_ =	shalt  }
0x64: {  	_ =	shalt  }
0x65: {  	_ =	shalt  }
0x66: {  	_ =	shalt  }
0x67: {  	_ =	shalt  }
0x68: {  	_ =	shalt  }
0x69: {  	_ =	shalt  }
0x6a: {  	_ =	shalt  }
0x6b: {  	_ =	shalt  }
0x6c: {  	_ =	shalt  }
0x6d: {  	_ =	shalt  }
0x6e: {  	_ =	shalt  }
0x6f: {  	_ =	shalt  }
0x70: {  	_ =	shalt  }
0x71: {  	_ =	shalt  }
0x72: {  	_ =	shalt  }
0x73: {  	_ =	shalt  }
0x74: {  	_ =	shalt  }
0x75: {  	_ =	shalt  }
0x76: {  	_ =	shalt  }
0x77: {  	_ =	shalt  }
0x78: {  	_ =	shalt  }
0x79: {  	_ =	shalt  }
0x7a: {  	_ =	shalt  }
0x7b: {  	_ =	shalt  }
0x7c: {  	_ =	shalt  }
0x7d: {  	_ =	shalt  }
0x7e: {  	_ =	shalt  }
0x7f: {  	_ =	shalt  }
0x80: {  	_ =	shalt  }
0x81: {  	_ =	shalt  }
0x82: {  	_ =	shalt  }
0x83: {  	_ =	shalt  }
0x84: {  	_ =	shalt  }
0x85: {  	_ =	shalt  }
0x86: {  	_ =	shalt  }
0x87: {  	_ =	shalt  }
.Lfunc_end0:
.L_simem_size_0:
called_computation_lowered:
.L_overlay_start_0:
0x88: {  	s0 =	sld [smem:$0x3FD9]  }
0x89: {  	s1 =	sld [smem:$0x3FFE];
	_ =	sdelay $0x3  }
0x8a: {  	s0 =	sadd.s32 s1, s0  }
0x8b: {  	[smem:$0x3FC0] =	sst s0  }
0x8c: {  	_ = 	snop  }
0x8d: {  	s0 =	sld [smem:$0x3FD0];
	(tm) =	ssettm $0x1  }
0x8e: {  	s16 =	sld [smem:$0x3FFB];
	_ =	sdelay $0x3  }
0x8f: {  	_ =	strace s16  }
0x90: {  	s1 =	sld [smem:$0x3FFC];
	_ =	sdelay $0x3  }
0x91: {  	_ =	strace s1  }
0x92: {  	s1 =	sld [smem:$0x3FFD];
	_ =	sdelay $0x3  }
0x93: {  	_ =	strace s1  }
0x94: {  	_ =	strace $0x8FFFFFFF  }
0x95: {  	s17 =	sld [smem:$0x3FDB];
	_ =	sdelay $0x1  }
0x96: {  	s2 =	simm.s32 $_scs_section_size  }
0x97: {  	s3 =	simm.s32 $_size__tile_overlayer_lowered;
	s4 =	simm.s32 $_tile_overlayer_lowered  }
0x98: {  	s20 =	simm.s32 $0x1BFF;
	s19 =	sshll.u32 s4, $0x1;
	s1 =	sadd.s32 s2, s17  }
0x99: {  	s5 =	simm.s32 $0x0;
	s18 =	sshll.u32 s3, $0x1;
	s3 =	sadd.s32 s19, s1  }
0x9a: {  	[timem:s5], [sflag:s20] =	dma.local [hbm:s3], s18  }
0x9b: {  	_ =	swait.ge [sflag:s20], s18  }
0x9c: {  	s2 =	ssub.s32 $0x0, s18;
	[sflag:s20] =	ssyncset.done $0x0  }
0x9d: {  	[sflag:s20] =	ssyncadd.s32 s2;
	_ =	sdelay $0x1  }
0x9e: {  	s21 =	simm.s32 $0x1B8B  }
0x9f: {  	_ =	swait.ge [sflag:s21], $0x1  }
0xa0: {  	[sflag:s21] =	ssyncset.done $0x0  }
0xa1: {  	s23 =	simm.s32 $0x1B8E;
	s22 =	sld [smem:$0x3FFE];
	[sflag:s21] =	ssyncadd.s32 $0xFFFFFFFF  }
0xa2: {  	s24 =	simm.s32 $execute0_lowered;
	[smem:$0x3FD2] =	sst s23  }
0xa3: {  	s3 =	sshll.u32 s24, $0x1;
	_ =	strace $0x80000046;
	[dreg:$0x1] =	wrdreg $0xFFFFFFFF  }
0xa4: {  	s25 =	simm.s32 $_size_execute0_lowered;
	s1 =	sadd.s32 s1, s3;
	[dreg:$0x0] =	wrdreg $0x0  }
0xa5: {  	s3 =	sshll.u32 s25, $0x1;
	[dreg:$0x2] =	wrdreg s1  }
0xa6: {  	[dreg:$0x3] =	wrdreg s3  }
0xa7: {  	[dreg:$0x4] =	wrdreg $0xC0  }
0xa8: {  	_ =	task [dreg:s5], $0x5FFFF  }
0xa9: {  	[dreg:$0x1] =	wrdreg $0xFFFFFFFF  }
0xaa: {  	[dreg:$0x0] =	wrdreg $0x60  }
0xab: {  	[dreg:$0x2] =	wrdreg s22  }
0xac: {  	[dreg:$0x3] =	wrdreg s0  }
0xad: {  	[dreg:$0x4] =	wrdreg $0x9  }
0xae: {  	_ =	task.clear_ibuf [dreg:s5], $0x5FFFF;
	_ =	strace $0x90000046  }
0xaf: {  	s26 =	simm.s32 $0x9;
	_ =	strace $0x80000048  }
0xb0: {  	_ =	swait.ge [sflag:s26], $0x1  }
0xb1: {  	[sflag:s26] =	ssyncadd.s32 $0xFFFFFFFF  }
0xb2: {  	_ =	strace $0x90000048  }
0xb3: {  	_ =	sfence  }
0xb4: {  	s28 =	sld [smem:$0x0];
	_ =	sdelay $0x1  }
0xb5: {  	s29 =	srdreg.scid  }
0xb6: {  	s30 =	sshll.u32 s29, $0xD;
	s31 =	sshrl.u32 s29, $0x2  }
0xb7: {  	s2 =	sand.u32 $0x4000, s30;
	s1 =	sand.u32 $0x1, s29;
	s0 =	sadd.s32 s31, s28  }
0xb8: {  	s1 =	sor.u32 s2, s1;
	s0 =	sshll.u32 s0, $0x11  }
0xb9: {  	s0 =	sor.u32 s0, s1  }
0xba: {  	s0 =	sadd.s32 $0x8F2B, s0  }
0xbb: {  	[sflag:s0] =	ssyncadd.remote.s32 $0x1  }
0xbc: {  	_ =	sfence.sel $0xFFFF  }
0xbd: {  	[dreg:$0x0] =	wrdreg $0xFFFFFFFF;
	(pc) =	sbr.abs _section_cstart, $3  }
0xbe: {  	[dreg:$0x1] =	wrdreg $0xFFFFFFFF  }
0xbf: {  	_ =	task.clear_ibuf [dreg:s5], $0x2FFFF;
	_ =	strace $0x9FFFFFFF  }
0xc0: {  	(tm) =	ssettm $0x7FFFFFFF  }
0xc1: {  	_ =	shalt  }
tec
execute0_lowered:
.L_overlay_start_1:
0x0: {  	(tag) =	ssettag $0x1  }
0x1: {  	s0 =	rddreg [dreg:$0x0];
	_ =	strace $0x80000047;
	s4 =	simm.s32 $0x1  }
0x2: {  	v1 =	vimm.s32 $0xFFFFFFFF;
	[sflag:s4] =	ssyncpa.u1 $0x0  }
0x3: {  	[tilespmem:$0x10] =	vst v1  }
0x4: {  	v0 =	vimm.f32 $0.0e+00;
	[tilespmem:$0x20] =	vst v1  }
0x5: {  	[tilespmem:$0x30] =	vst v0  }
0x6: {  	s2 =	simm.s32 $0x2;
	s6 =	simm.s32 $0x7;
	s26 =	stileid.u32;
	[tilespmem:$0x40] =	vst v0  }
0x7: {  	s7 =	simm.s32 $0x8;
	s31 =	simm.s32 $0x9;
	s14 =	simm.s32 $0x0;
	[tilespmem:$0x50] =	vst v0  }
0x8: {  	s15 =	simm.s32 $0x100;
	s17 =	simm.s32 $0x10FF;
	s18 =	simm.s32 $0x10;
	[tilespmem:$0x60] =	vst v1  }
0x9: {  	s19 =	simm.s32 $0x9100;
	s20 =	simm.s32 $0xF;
	s21 =	simm.s32 $0x50;
	[tilespmem:$0x70] =	vst v1  }
0xa: {  	s22 =	simm.s32 $0x40FF;
	s23 =	simm.s32 $0x20;
	s24 =	simm.s32 $0x30;
	[tilespmem:$0x80] =	vst v1  }
0xb: {  	s25 =	simm.s32 $0x80FF;
	s30 =	simm.s32 $0x0;
	s29 =	simm.s32 $0x0;
	v1 =	vimm.s32 $0x0;
	[tilespmem:$0xB0] =	vst v0  }
.Ltmp0:
0xc: {  	s1 =	sadd.s32 $0x2A00, s0;
	s5 =	sadd.s32 $0xA00, s0;
	[tilespmem:$0x90] =	vst v1;
	(pc) =	sbr.rel .LBB2_1-.Ltmp0, $4  }
0xd: {  	s8 =	sshll.u32 s26, $0xC;
	s10 =	sshll.u32 s26, $0x1;
	[tilespmem:$0xA0] =	vst v1;
	[sflag:s2] =	ssyncpa.u1 $0x0  }
0xe: {  	s12 =	sshllo.u32 s26, $0x1;
	s26 =	simm.s32 $0x80;
	[sflag:s6] =	ssyncpa.u1 $0x0  }
0xf: {  	vm0 =	vmmov $0xffff;
	v2 =	vlaneseq.u32;
	s9 =	sadd.s32 $0x1000, s8;
	s11 =	sor.u32 $0x81, s10;
	[sflag:s7] =	ssyncpa.u1 $0x0  }
0x10: {  	vm1 =	vmxor vm1, vm1;
	vm2 =	vmmov $0x1;
	vm3 =	vcmask $0x3F3C;
	s13 =	sor.u32 $0x80, s10;
	s28 =	smov.u32 s8;
	[sflag:s31] =	ssyncpa.u1 $0x0  }
.LBB2_3:
0x11: {  	s0 =	sshrl.u32 s28, $0x3;
	s2 =	rddreg [dreg:$0x1]  }
0x12: {  	s31 =	sand.u32 $0x7, s28;
	s0 =	sadd.s32 s2, s0  }
0x13: {  	[tilespmem:s15], [sflag:$0x7] =	stream.linear.gather [hbm4b:s0+s31], $0x1000, $0x38;
	[tilespmem:$0x9120] =	vst v63  }
.LBB2_4:
0x14: {  	s0 =	sadd.s32 $0x1000, s28  }
0x15: {  	s2 =	smov.u32 s8;
	s29 =	sadd.s32 $0x1, s29;
	p0 =	slt.s32 s0, s9  }
0x16: {  	s2 =	smov.u32 @p0 s0;
	p0 =	sne.s32 s29, $0x4  }
.Ltmp1:
0x17: {  	_ = 	snop;
	(pc) =	sbr.rel @!p0 .LBB2_13-.Ltmp1, $2  }
0x18: {  	_ =	sdelay $0x2  }
0x19: {  	s30 =	smov.u32 s28;
	s28 =	smov.u32 s2  }
.LBB2_1:
0x1a: {  	p0 =	sgt.s32 s29, $0x1  }
.Ltmp2:
0x1b: {  	_ = 	snop;
	(pc) =	sbr.rel @p0 .LBB2_11-.Ltmp2, $1  }
0x1c: {  	_ =	sdelay $0x3  }
0x1d: {  	p0 =	seq.s32 s29, $0x0  }
.Ltmp3:
0x1e: {  	_ = 	snop;
	(pc) =	sbr.rel @p0 .LBB2_3-.Ltmp3, $1  }
0x1f: {  	_ =	sdelay $0x3  }
0x20: {  	_ =	swait.ge [sflag:s6], $0x1000  }
0x21: {  	[sflag:s6] =	ssyncset.done $0x0  }
0x22: {  	[sflag:s6] =	ssyncadd.s32 $0xFFFFF000;
	(ifvalue) =	ssetifvalue $0xFFFFFFFF;
	v3 =	vld.msk [tilespmem:s15+$0x0 ss:$0x1], $0xffff;
	_ =	sdelay $0x4  }
0x23: {  	v4 =	vperm.xlane v3, v1  }
0x24: {  	vm4 =	vlt.u32 v3, $0x1000000  }
0x25: {  	v3 =	vnsel vm4, $0xFFFFFFFE, v3;
	vm4 =	vlt.u32 v4, $0x1000000  }
0x26: {  	[tilespmem:$0x70] =	vst v3;
	v3 =	vnsel vm4, $0xFFFFFFFE, v4  }
0x27: {  	s16 =	simm.s32 $0x10F0;
	[tilespmem:$0x80] =	vst v3  }
0x28: {  	v3 =	vld.msk [tilespmem:s16+$0x0 ss:$0x1], $0xffff;
	_ =	sdelay $0x4  }
0x29: {  	(xrf1) =	vunique.msk.u32 $0xffff, v3;
	_ =	sdelay $0xd  }
0x2a: {  	v4 =	vimm.s32 $0xFFFFFFFF;
	v5, _, _ =	vpop (xrf1)  }
0x2b: {  	vm5 =	vne.s32 v3, v4;
	vm4 =	veq.s32 v5, v2  }
0x2c: {  	vm6 =	vlt.u32 v3, $0x1000000;
	vm4 =	vmand vm5, vm4  }
0x2d: {  	vm4 =	vmand vm6, vm4  }
0x2e: {  	v4 =	vnsel vm4, $0xFFFFFFFF, v3;
	_ =	sdelay $0x3  }
0x2f: {  	s0 =	simm.s32 $0x40F0;
	(ifvalue) =	ssetifvalue $0xFFFFFFFF  }
0x30: {  	v3 =	vperm.xlane v3, v1;
	[tilespmem:s0], [sflag:$0x8] =	stream.indirect_vreg.gather [hbm4b:s1+s14], $0x1, v4, vm0, $0x4038;
	v4 =	vnsel vm6, $0xFFFFFFFE, v4;
	[tilespmem:$0x9120] =	vst v63  }
0x31: {  	s2 =	simm.s32 $0x0;
	s3 =	simm.s32 $0x10E0;
	[tilespmem:s16+$0x0] =	vst v4  }
.LBB2_6:
0x32: {  	v4 =	vld.msk [tilespmem:s3+$0x0 ss:$0x1], $0xffff;
	s2 =	sadd.s32 $0x10, s2;
	v5 =	vmov v3;
	s16 =	smov.u32 s3  }
0x33: {  	p0 =	slt.u32 s2, $0xFF0;
	_ =	sdelay $0x4  }
0x34: {  	v3 =	vperm.xlane v4, v1;
	(xrf1) =	vunique.msk.u32 $0xffff, v4;
	_ =	sdelay $0xd  }
0x35: {  	v6, _, _ =	vpop (xrf1)  }
0x36: {  	vm5 =	vne.s32 v4, v5;
	vm4 =	veq.s32 v6, v2  }
0x37: {  	vm6 =	vlt.u32 v4, $0x1000000;
	vm4 =	vmand vm5, vm4  }
0x38: {  	vm4 =	vmand vm6, vm4  }
0x39: {  	v4 =	vnsel vm4, $0xFFFFFFFF, v4  }
.Ltmp4:
0x3a: {  	v5 =	vnsel vm6, $0xFFFFFFFE, v4;
	(pc) =	sbr.rel @p0 .LBB2_6-.Ltmp4, $3  }
0x3b: {  	_ =	sdelay $0x1  }
0x3c: {  	s3 =	sadd.s32 $0xFFFFFFF0, s3;
	s0 =	sadd.s32 $0xFFFFFFF0, s0;
	(ifvalue) =	ssetifvalue $0xFFFFFFFF  }
0x3d: {  	[tilespmem:s0], [sflag:$0x8] =	stream.indirect_vreg.gather [hbm4b:s1+s14], $0x1, v4, vm0, $0x4038;
	[tilespmem:s16+$0x0] =	vst v5  }
.Ltmp5:
0x3e: {  	(pc) =	sbr.rel .LBB2_4-.Ltmp5, $4  }
0x3f: {  	_ = 	snop  }
0x40: {  	s0 =	sshrl.u32 s30, $0x3  }
0x41: {  	s2 =	simm.s32 $0x5100;
	s0 =	sadd.s32 s5, s0  }
0x42: {  	[tilespmem:s2], [sflag:$0x8] =	stream.linear.gather [hbm:s0], $0x1000, $0x38;
	[tilespmem:$0x9120] =	vst v63  }
.LBB2_11:
0x43: {  	p0 =	seq.s32 s29, $0x2  }
.Ltmp6:
0x44: {  	_ = 	snop;
	(pc) =	sbr.rel @!p0 .LBB2_12-.Ltmp6, $1  }
0x45: {  	_ =	sdelay $0x3  }
0x46: {  	_ =	swait.ge [sflag:s7], $0x2000  }
0x47: {  	[sflag:s7] =	ssyncset.done $0x0  }
0x48: {  	[sflag:s7] =	ssyncadd.s32 $0xFFFFE000  }
0x49: {  	[spmem:s11] =	stream.linear.scatter [tilespmem:s17], [sflag:$0x1], $0x1, $0x38;
	[tilespmem:$0x9120] =	vst v63  }
0x4a: {  	_ =	swait.ge [sflag:s4], $0x1  }
0x4b: {  	[sflag:s4] =	ssyncset.done $0x0  }
0x4c: {  	[sflag:s4] =	ssyncadd.s32 $0xFFFFFFFF  }
0x4d: {  	v4 =	vld [tilespmem:$0x10]  }
0x4e: {  	v5 =	vld [tilespmem:$0x70]  }
0x4f: {  	v3 =	vld [tilespmem:$0x80];
	_ =	sdelay $0x2  }
0x50: {  	(v2sf) =	vpush v4, $0x0  }
0x51: {  	(v2sf) =	vpush v5, $0x0  }
0x52: {  	(v2sf) =	vpush v3, $0x0;
	_ =	sdelay $0xc  }
0x53: {  	s0 =	spop (v2sf)  }
0x54: {  	s2 =	spop (v2sf)  }
0x55: {  	s30 =	spop (v2sf)  }
0x56: {  	p0 =	seq.s32 s0, s2;
	p1 =	seq.s32 s30, s0  }
0x57: {  	p1 =	por p0, p1  }
0x58: {  	v4 =	vpsel p1, $0xFFFFFFFF, v4  }
0x59: {  	[tilespmem:s18+$0x0] =	vst.msk $0x1, v4  }
0x5a: {  	v4 =	vld [tilespmem:$0x30]  }
0x5b: {  	v5 =	vld [tilespmem:$0x5100]  }
0x5c: {  	v6 =	vld [tilespmem:$0x40];
	_ =	sdelay $0x3  }
0x5d: {  	vm4 =	vmmov vm1;
	v5 =	vadd.f32 v5, v4  }
0x5e: {  	vm5 =	vmmov vm2;
	s31 =	simm.s32 $0x5100;
	vm4 =	vmmov @p0 vm2;
	v4 =	vadd.f32 v6, v4  }
0x5f: {  	vm5 =	vmmov @p1 vm1;
	[tilespmem:s31+$0x0] =	vst.msk vm4, v5  }
0x60: {  	[tilespmem:s19+$0x0] =	vst.msk vm5, v4  }
0x61: {  	v4 =	vld [tilespmem:$0x40F0];
	_ =	sdelay $0x3  }
0x62: {  	v5 =	vimm.f32 $0.0e+00  }
0x63: {  	v4 =	vshift.insert v4, v5, s20;
	_ =	sdelay $0x1  }
0x64: {  	[tilespmem:s21+$0x0] =	vst.msk $0x1, v4  }
0x65: {  	[tilespmem:s22+$0x0] =	vst.msk $0x1, v5  }
0x66: {  	v4 =	vld [tilespmem:$0x10F0];
	_ =	sdelay $0x4  }
0x67: {  	v4 =	vshift.insert v4, v1, s20;
	_ =	sdelay $0x1  }
0x68: {  	[tilespmem:s23+$0x0] =	vst.msk $0x1, v4  }
0x69: {  	s16 =	simm.s32 $0x100;
	v6 =	vld [tilespmem:s31+$0x0]  }
0x6a: {  	v7 =	vld [tilespmem:s16+$0x0];
	_ =	sdelay $0x3  }
0x6b: {  	v5 =	vadd.f32 v6, v5  }
0x6c: {  	vm4 =	vne.s32 v7, $0xFFFFFFFF  }
0x6d: {  	(xrf2) =	vadd.seg.scan.f32 vm4, v5;
	_ =	sdelay $0x3  }
0x6e: {  	s0 =	simm.s32 $0x3100;
	v5 =	vperm.xlane v4, v1  }
0x6f: {  	v6 =	vld [tilespmem:s0+$0x0]  }
0x70: {  	vm5 =	veq.s32 v7, v3;
	vm6 =	veq.s32 v7, v5  }
0x71: {  	vm7 =	vgt.u32 v7, $0xFFFFFFFD;
	vm6 =	vmor vm6, vm5  }
0x72: {  	vm6 =	vmor vm6, vm7  }
0x73: {  	v9 =	vld [tilespmem:$0xA0];
	v7 =	vsel vm6, $0xFFFFFFFF, v7  }
0x74: {  	v10 =	vld [tilespmem:$0x90];
	v6 =	vsel vm5, $0x0, v6;
	v8, _, _ =	vpop (xrf2)  }
0x75: {  	v6 =	vadd.f32 v8, v6  }
0x76: {  	s2 =	simm.s32 $0x7100  }
0x77: {  	vm4 =	vmand vm4, vm3;
	[tilespmem:s2+$0x0] =	vst v6;
	(ifvalue) =	ssetifvalue $0xFFFFFFFF  }
0x78: {  	vm6 =	veq.s32 v9, $0x1;
	[hbm4b:s1+s14] =	stream.indirect_vreg.scatter [tilespmem:s2], [sflag:$0x2], $0x1, v7, vm0, $0x4038;
	v7 =	vsel vm4, $0x0, v8;
	[tilespmem:$0x9120] =	vst v63  }
0x79: {  	s3 =	simm.s32 $0x0;
	s16 =	simm.s32 $0x110;
	vm4 =	vmor vm6, vm5;
	v6 =	vsel vm5, v8, v10;
	v7 =	vshift.insert v7, v0, s20  }
.LBB2_9:
0x7a: {  	v8 =	vld [tilespmem:s16+$0x0];
	s31 =	sadd.s32 $0x10, s31  }
0x7b: {  	s0 =	sadd.s32 $0x10, s0;
	v9 =	vld [tilespmem:s31+$0x0]  }
0x7c: {  	s3 =	sadd.s32 $0x10, s3;
	v10 =	vld [tilespmem:s0+$0x0]  }
0x7d: {  	p0 =	slt.u32 s3, $0xFF0;
	_ =	sdelay $0x2  }
0x7e: {  	v7 =	vadd.f32 v9, v7  }
0x7f: {  	vm5 =	vne.s32 v8, $0xFFFFFFFF  }
0x80: {  	vm6 =	vmand vm5, vm3;
	(xrf2) =	vadd.seg.scan.f32 vm5, v7;
	_ =	sdelay $0x5  }
0x81: {  	vm7 =	veq.s32 v8, v5;
	vm5 =	veq.s32 v8, v3  }
0x82: {  	vm8 =	vgt.u32 v8, $0xFFFFFFFD;
	vm4 =	vmor vm4, vm5;
	vm7 =	vmor vm7, vm5  }
0x83: {  	vm7 =	vmor vm7, vm8  }
0x84: {  	v8 =	vsel vm7, $0xFFFFFFFF, v8  }
.Ltmp7:
0x85: {  	v7 =	vsel vm5, $0x0, v10;
	v9, _, _ =	vpop (xrf2);
	(pc) =	sbr.rel @p0 .LBB2_9-.Ltmp7, $4  }
0x86: {  	v6 =	vsel vm5, v9, v6;
	v10 =	vadd.f32 v9, v7;
	v7 =	vsel vm6, $0x0, v9  }
0x87: {  	s2 =	sadd.s32 $0x10, s2;
	v7 =	vshift.insert v7, v0, s20  }
0x88: {  	s16 =	sadd.s32 $0x10, s16;
	[tilespmem:s2+$0x0] =	vst v10;
	(ifvalue) =	ssetifvalue $0xFFFFFFFF  }
0x89: {  	[hbm4b:s1+s14] =	stream.indirect_vreg.scatter [tilespmem:s2], [sflag:$0x2], $0x1, v8, vm0, $0x4038;
	[tilespmem:$0x9120] =	vst v63  }
0x8a: {  	v3 =	vld [tilespmem:$0x80F0];
	_ =	sdelay $0x4  }
0x8b: {  	v3 =	vshift.insert v3, v0, s20;
	_ =	sdelay $0x1  }
0x8c: {  	[tilespmem:s24+$0x0] =	vst.msk $0x1, v3  }
0x8d: {  	v3 =	vsel vm4, $0x1, v1;
	[tilespmem:$0x90] =	vst v6  }
0x8e: {  	[tilespmem:$0xA0] =	vst v3  }
0x8f: {  	[spmem:s12] =	stream.linear.scatter [tilespmem:s25], [sflag:$0x1], $0x1, $0x38;
	[tilespmem:$0x9120] =	vst v63  }
0x90: {  	v3 =	vmctz.xlane vm4;
	_ =	swait.ge [sflag:s4], $0x1  }
0x91: {  	(v2sf) =	vpush v4, $0x0  }
0x92: {  	(v2sf) =	vpush v3, $0x0;
	_ =	sdelay $0xd  }
0x93: {  	s0 =	spop (v2sf)  }
0x94: {  	s2 =	spop (v2sf)  }
0x95: {  	[sflag:s4] =	ssyncset.done $0x0;
	p0 =	sne.s32 s30, s0;
	p1 =	slt.s32 s2, $0xF  }
0x96: {  	[sflag:s4] =	ssyncadd.s32 $0xFFFFFFFF;
	v3 =	vimm.s32 @!p0 $0xFFFFFFFF;
	s2 =	simm.s32 @!p1 $0xF  }
0x97: {  	[tilespmem:$0x80] =	vst @!p0 v3;
	s31 =	sadd.s32 $0x90, s2  }
0x98: {  	[spmem:s10] =	stream.linear.scatter [tilespmem:s31], [sflag:$0x1], $0x1, $0x38;
	[tilespmem:$0x9120] =	vst v63  }
0x99: {  	_ =	swait.ge [sflag:s4], $0x1  }
0x9a: {  	[sflag:s4] =	ssyncset.done $0x0  }
0x9b: {  	[sflag:s4] =	ssyncadd.s32 $0xFFFFFFFF  }
0x9c: {  	[spmem:s13] =	stream.linear.scatter [tilespmem:s26], [sflag:$0x1], $0x1, $0x38;
	[tilespmem:$0x9120] =	vst v63  }
0x9d: {  	_ =	swait.ge [sflag:s4], $0x1  }
0x9e: {  	[sflag:s4] =	ssyncset.done $0x0  }
0x9f: {  	[sflag:s4] =	ssyncadd.s32 $0xFFFFFFFF;
	(ifvalue) =	ssetifvalue $0xFFFFFFFF;
	v3 =	vld [tilespmem:$0x10];
	_ =	sdelay $0x3  }
.Ltmp8:
0xa0: {  	_ = 	snop;
	(pc) =	sbr.rel .LBB2_4-.Ltmp8, $3  }
0xa1: {  	_ =	sdelay $0x1  }
0xa2: {  	(ifvalue) =	ssetifvalue $0xFFFFFFFF  }
0xa3: {  	[hbm4b:s1+s14] =	stream.indirect_vreg.scatter [tilespmem:s19], [sflag:$0x9], $0x1, v3, vm0, $0x4038;
	[tilespmem:$0x9120] =	vst v63  }
.LBB2_12:
0xa4: {  	s0 =	simm.s32 $0x2  }
0xa5: {  	_ =	swait.ge [sflag:s0], $0x1000  }
0xa6: {  	[sflag:s0] =	ssyncset.done $0x0  }
0xa7: {  	s31 =	simm.s32 $0x9;
	[sflag:s0] =	ssyncadd.s32 $0xFFFFF000  }
0xa8: {  	_ =	swait.ge [sflag:s31], $0x10  }
0xa9: {  	[sflag:s31] =	ssyncset.done $0x0  }
0xaa: {  	[sflag:s31] =	ssyncadd.s32 $0xFFFFFFF0  }
.LBB2_13:
0xab: {  	_ =	sfence.sel $0x180000  }
0xac: {  	s0 =	simm.s32 $0x7;
	[bflag:$0x0] =	sbarrier.arrive $0xFFFF  }
0xad: {  	s26 =	simm.s32 $0x8;
	[sflag:s0] =	ssyncpa.u1 $0x1  }
0xae: {  	s28 =	simm.s32 $0x9;
	[sflag:s26] =	ssyncpa.u1 $0x1  }
0xaf: {  	[sflag:s28] =	ssyncpa.u1 $0x1  }
0xb0: {  	_ =	sfence.stream.spmem  }
0xb1: {  	s29 =	simm.s32 $0x3;
	[bflag:$0x0] =	sbarrier.arrive $0xFFFF  }
0xb2: {  	s30 =	simm.s32 $0x4;
	[sflag:s29] =	ssyncpa.u1 $0x1  }
0xb3: {  	s31 =	simm.s32 $0x3C;
	s2 =	stileid.u32;
	[sflag:s30] =	ssyncpa.u1 $0x1  }
0xb4: {  	p0 =	sne.s32 s2, $0x0;
	[sflag:s31] =	ssyncpa.u1 $0x1  }
0xb5: {  	s0 =	simm.s32 @p0 $0x1;
	_ =	sfence @p0  }
0xb6: {  	[sflag:s0] =	ssyncpa.u1 @p0 $0x1;
	s0 =	simm.s32 @p0 $0x2  }
0xb7: {  	[sflag:s0] =	ssyncpa.u1 @p0 $0x1  }
0xb8: {  	_ =	strace @p0 $0x90000047  }
0xb9: {  	[bflag:$0x2] =	sbarrier.arrive @p0 $0xFFFF  }
0xba: {  	_ =	shalt @p0  }
.LBB2_14:
0xbb: {  	_ =	sfence.stream.spmem;
	s0 =	simm.s32 $0x5  }
0xbc: {  	s2 =	simm.s32 $0x80;
	s3 =	simm.s32 $0xC0;
	[sflag:s0] =	ssyncpa.u1 $0x0  }
0xbd: {  	[tilespmem:s3], [sflag:$0x5] =	stream.linear.gather [spmem:s2], $0x20, $0x38;
	[tilespmem:$0x9120] =	vst v63  }
0xbe: {  	s2 =	simm.s32 $0x0;
	s3 =	simm.s32 $0xE0  }
0xbf: {  	[tilespmem:s3], [sflag:$0x5] =	stream.linear.gather [spmem:s2], $0x20, $0x38;
	[tilespmem:$0x9120] =	vst v63  }
.Ltmp9:
0xc0: {  	_ = 	snop;
	(pc) =	sbr.rel .LBB2_15-.Ltmp9, $4  }
0xc1: {  	_ =	swait.ge [sflag:s0], $0x40  }
0xc2: {  	[sflag:s0] =	ssyncset.done $0x0  }
0xc3: {  	s31 =	simm.s32 $0x6;
	[sflag:s0] =	ssyncadd.s32 $0xFFFFFFC0  }
0xc4: {  	s4 =	simm.s32 $0x0;
	[sflag:s31] =	ssyncpa.u1 $0x0  }
.LBB2_20:
0xc5: {  	p0 =	sgt.u32 s0, $0xFFFFFF  }
0xc6: {  	s5 =	sshrl.u32 @!p0 s0, $0x3  }
0xc7: {  	s0 =	sand.u32 @!p0 $0x7, s0;
	s6 =	simm.s32 @!p0 $0xB0;
	s5 =	sadd.s32 @!p0 s1, s5  }
0xc8: {  	[tilespmem:s6], [sflag:$0x6] =	stream.linear.gather @!p0 [hbm4b:s5+s0], $0x1, $0x38;
	[tilespmem:$0x9120] =	vst v63  }
0xc9: {  	s0 =	simm.s32 @!p0 $0x6  }
0xca: {  	_ =	swait.ge @!p0 [sflag:s0], $0x1  }
0xcb: {  	[sflag:s0] =	ssyncset.done @!p0 $0x0  }
0xcc: {  	[sflag:s0] =	ssyncadd.s32 @!p0 $0xFFFFFFFF  }
0xcd: {  	v2 =	vmov @!p0 s4;
	v1 =	vld.msk @!p0 [tilespmem:$0xB0], $0x1;
	_ =	sdelay $0x3  }
0xce: {  	s0 =	simm.s32 @!p0 $0xE0  }
0xcf: {  	[tilespmem:v2+s0+$0x0], v1 =	vst.idx.ret.add.f32.msk @!p0 $0x1, v1  }
0xd0: {  	[tilespmem:s2+$0xC0] =	vst.msk $0x1, v0  }
0xd1: {  	v0 =	vld.msk [tilespmem:s4+$0xE0], $0x1;
	_ =	sdelay $0x4  }
0xd2: {  	[tilespmem:s2+$0xE0] =	vst.msk $0x1, v0;
	s2 =	sadd.s32 $0x1, s2  }
.LBB2_22:
0xd3: {  	s4 =	sadd.s32 $0x1, s4  }
0xd4: {  	p0 =	sne.s32 s4, $0x20  }
.Ltmp10:
0xd5: {  	_ = 	snop;
	(pc) =	sbr.rel @!p0 .LBB2_23-.Ltmp10, $1  }
0xd6: {  	_ =	sdelay $0x3  }
.LBB2_15:
0xd7: {  	v0 =	vld.msk [tilespmem:s4+$0xC0], $0x1;
	_ =	sdelay $0x4  }
0xd8: {  	(v2sf) =	vpush v0, $0x0;
	_ =	sdelay $0xe  }
0xd9: {  	s0 =	spop (v2sf)  }
0xda: {  	p0 =	seq.s32 s0, $0xFFFFFFFF  }
.Ltmp11:
0xdb: {  	_ = 	snop;
	(pc) =	sbr.rel @p0 .LBB2_22-.Ltmp11, $1  }
0xdc: {  	_ =	sdelay $0x3  }
0xdd: {  	p0 =	slt.s32 s2, $0x1  }
.Ltmp12:
0xde: {  	_ = 	snop;
	(pc) =	sbr.rel @p0 .LBB2_20-.Ltmp12, $1  }
0xdf: {  	_ =	sdelay $0x3  }
0xe0: {  	s5 =	simm.s32 $0xC0;
	p0 =	por $0x0, $0x0  }
0xe1: {  	v1 =	vld.msk @!p0 [tilespmem:s5+$0x0], $0x1;
	_ =	sdelay $0x4  }
0xe2: {  	(v2sf) =	vpush @!p0 v1, $0x0;
	_ =	sdelay $0xd  }
0xe3: {  	p2 =	sne.s32 s2, $0x1  }
.Ltmp13:
0xe4: {  	s6 =	spop @!p0 (v2sf);
	(pc) =	sbr.rel @!p2 .LBB2_19-.Ltmp13, $4  }
0xe5: {  	p1 =	seq.s32 @!p0 s0, s6  }
0xe6: {  	s6 =	simm.s32 $0x0;
	p1 =	por !p1, p0  }
0xe7: {  	s8 =	simm.s32 $0xFFFFFFFF;
	s6 =	simm.s32 @p1 $0xFFFFFFFF  }
0xe8: {  	s7 =	simm.s32 $0x1;
	s6 =	smov.u32 @p0 s8  }
.LBB2_18:
0xe9: {  	s8 =	smov.u32 s6;
	p0 =	sne.s32 s6, $0xFFFFFFFF  }
0xea: {  	s5 =	sadd.s32 $0x1, s5;
	s6 =	smov.u32 s7;
	s7 =	sadd.s32 $0x1, s7  }
0xeb: {  	p1 =	sne.s32 s2, s7;
	v1 =	vld.msk @!p0 [tilespmem:s5+$0x0], $0x1;
	_ =	sdelay $0x4  }
0xec: {  	(v2sf) =	vpush @!p0 v1, $0x0;
	_ =	sdelay $0xe  }
.Ltmp14:
0xed: {  	s9 =	spop @!p0 (v2sf);
	(pc) =	sbr.rel @p1 .LBB2_18-.Ltmp14, $4  }
0xee: {  	p2 =	seq.s32 @!p0 s0, s9  }
0xef: {  	p2 =	por !p2, p0  }
0xf0: {  	s6 =	simm.s32 @p2 $0xFFFFFFFF  }
0xf1: {  	s6 =	smov.u32 @p0 s8  }
.LBB2_19:
0xf2: {  	p0 =	sne.s32 s6, $0xFFFFFFFF  }
.Ltmp15:
0xf3: {  	_ = 	snop;
	(pc) =	sbr.rel @!p0 .LBB2_20-.Ltmp15, $1  }
0xf4: {  	_ =	sdelay $0x3  }
0xf5: {  	v0 =	vld.msk [tilespmem:s4+$0xE0], $0x1;
	v1 =	vmov s6  }
.Ltmp16:
0xf6: {  	_ = 	snop;
	(pc) =	sbr.rel .LBB2_22-.Ltmp16, $2  }
0xf7: {  	_ =	sdelay $0x2  }
0xf8: {  	[tilespmem:v1+s3+$0x0], v0 =	vst.idx.ret.add.f32.msk $0x1, v0  }
.LBB2_23:
0xf9: {  	p0 =	slt.s32 s2, $0x1  }
.Ltmp17:
0xfa: {  	_ = 	snop;
	(pc) =	sbr.rel @p0 .LBB2_27-.Ltmp17, $3  }
0xfb: {  	_ =	sdelay $0x1  }
0xfc: {  	s0 =	simm.s32 $0x6  }
0xfd: {  	[sflag:s0] =	ssyncpa.u1 $0x1;
	s0 =	simm.s32 $0x0  }
0xfe: {  	s3 =	simm.s32 $0xC0  }
0xff: {  	v0 =	vld.msk [tilespmem:s3+$0x0], $0x1;
	_ =	sdelay $0x4  }
0x100: {  	(v2sf) =	vpush v0, $0x0;
	_ =	sdelay $0xe  }
0x101: {  	s2 =	sadd.s32 $0xFFFFFFFF, s2;
	s4 =	spop (v2sf)  }
0x102: {  	p1 =	sne.s32 s2, $0x0;
	p0 =	sgt.u32 s4, $0xFFFFFF  }
.Ltmp18:
0x103: {  	s5 =	sshrl.u32 @!p0 s4, $0x3;
	(pc) =	sbr.rel @!p1 .LBB2_26-.Ltmp18, $4  }
0x104: {  	s3 =	simm.s32 $0xE0;
	s4 =	sand.u32 @!p0 $0x7, s4;
	s5 =	sadd.s32 @!p0 s1, s5  }
0x105: {  	[hbm4b:s5+s4] =	stream.linear.scatter @!p0 [tilespmem:s3], [sflag:$0x5], $0x1, $0x38;
	[tilespmem:$0x9120] =	vst v63  }
0x106: {  	s5 =	simm.s32 $0x0  }
0x107: {  	s4 =	simm.s32 $0xC1;
	s5 =	simm.s32 @!p0 $0x4  }
.LBB2_25:
0x108: {  	v0 =	vld.msk [tilespmem:s4+$0x0], $0x1;
	s2 =	sadd.s32 $0xFFFFFFFF, s2;
	s0 =	sadd.s32 s0, s5  }
0x109: {  	p0 =	sne.s32 s2, $0x0;
	_ =	sdelay $0x3  }
0x10a: {  	(v2sf) =	vpush v0, $0x0;
	_ =	sdelay $0xe  }
.Ltmp19:
0x10b: {  	s6 =	spop (v2sf);
	(pc) =	sbr.rel @p0 .LBB2_25-.Ltmp19, $4  }
0x10c: {  	s5 =	simm.s32 $0x0;
	p1 =	sgt.u32 s6, $0xFFFFFF  }
0x10d: {  	s3 =	sadd.s32 $0x1, s3;
	s5 =	simm.s32 @!p1 $0x4;
	s7 =	sshrl.u32 @!p1 s6, $0x3  }
0x10e: {  	s4 =	sadd.s32 $0x1, s4;
	s6 =	sand.u32 @!p1 $0x7, s6;
	s7 =	sadd.s32 @!p1 s1, s7  }
0x10f: {  	[hbm4b:s7+s6] =	stream.linear.scatter @!p1 [tilespmem:s3], [sflag:$0x5], $0x1, $0x38;
	[tilespmem:$0x9120] =	vst v63  }
.LBB2_26:
0x110: {  	s0 =	sadd.s32 s0, s5  }
0x111: {  	s0 =	sshrl.u32 s0, $0x2  }
.LBB2_27:
0x112: {  	s1 =	simm.s32 $0x5  }
0x113: {  	_ =	swait.ge [sflag:s1], s0  }
0x114: {  	s28 =	ssub.s32 $0x0, s0;
	[sflag:s1] =	ssyncset.done $0x0  }
0x115: {  	[sflag:s1] =	ssyncadd.s32 s28  }
0x116: {  	[sflag:s1] =	ssyncpa.u1 $0x1  }
0x117: {  	s29 =	simm.s32 $0x1;
	_ =	sfence  }
0x118: {  	s30 =	simm.s32 $0x2;
	[sflag:s29] =	ssyncpa.u1 $0x1  }
0x119: {  	[sflag:s30] =	ssyncpa.u1 $0x1  }
0x11a: {  	_ =	strace $0x90000047  }
0x11b: {  	[bflag:$0x2] =	sbarrier.arrive $0xFFFF  }
0x11c: {  	s31 =	rddreg [dreg:$0x2]  }
0x11d: {  	s0 =	sadd.s32 $0x100000, s31  }
0x11e: {  	[sflag:s0] =	ssyncadd.tile.s32 $0x1;
	_ =	shalt  }
.Lfunc_end2:
_tile_overlayer_lowered:
.L_overlay_start_2:
0x11f: {  	(tag) =	ssettag $0x2  }
0x120: {  	s0 =	rddreg [dreg:$0x0];
	s2 =	stileid.u32  }
0x121: {  	s1 =	rddreg [dreg:$0x1];
	p0 =	sne.s32 s2, $0x0  }
0x122: {  	s3 =	rddreg [dreg:$0x2];
	[bflag:$0x3] =	sbarrier.arrive $0xFFFF;
	s2 =	simm.s32 @!p0 $0x1C01  }
0x123: {  	[timem:s3], [sflag:s2] =	dma.local @!p0 [hbm:s0], s1  }
0x124: {  	s0 =	simm.s32 @!p0 $0x1  }
0x125: {  	_ =	swait.ge @!p0 [sflag:s0], s1  }
0x126: {  	s1 =	ssub.s32 @!p0 $0x0, s1;
	[sflag:s0] =	ssyncset.done @!p0 $0x0  }
0x127: {  	[sflag:s0] =	ssyncadd.s32 @!p0 s1  }
0x128: {  	[bflag:$0x3] =	sbarrier.arrive $0xFFFF  }
0x129: {  	_ =	shalt  }

</sc_bundles>
